<compile_context>
chip_gen: v7x
topology: tpu7x:2x2x1
jax: 0.10.2.dev20260603
libtpu: 0.0.44.dev20260713+nightly
codegen_flags: <defaults>
</compile_context>

<pallas_src>
import functools

import jax
import jax.numpy as jnp
from jax import lax
from jax.experimental import pallas as pl
from jax.experimental.pallas import tpu as pltpu
from jax.experimental.pallas import tpu_sc as plsc

NC = 2
NS = 16


def _dense1_body(x_ref, ws_ref, wn_ref, b_ref, s_ref, p_ref):
    xb = x_ref[...]
    s = jnp.dot(xb, ws_ref[...], preferred_element_type=jnp.float32) + b_ref[...]
    p = jnp.dot(xb, wn_ref[...], preferred_element_type=jnp.float32)
    h = s.shape[1] // 2
    s_ref[0] = s[:, :h]
    s_ref[1] = s[:, h:]
    p_ref[0] = p[:, :h]
    p_ref[1] = p[:, h:]


def _dense1(x, w_self, w_neigh, b, bn):
    n, d_in = x.shape
    d_out = w_self.shape[1]
    h = d_out // 2
    grid = (n // bn,)
    out_shape = jax.ShapeDtypeStruct((2, n, h), jnp.float32)
    s, p = pl.pallas_call(
        _dense1_body,
        grid=grid,
        in_specs=[
            pl.BlockSpec((bn, d_in), lambda i: (i, 0)),
            pl.BlockSpec((d_in, d_out), lambda i: (0, 0)),
            pl.BlockSpec((d_in, d_out), lambda i: (0, 0)),
            pl.BlockSpec((1, d_out), lambda i: (0, 0)),
        ],
        out_specs=[
            pl.BlockSpec((2, bn, h), lambda i: (0, i, 0)),
            pl.BlockSpec((2, bn, h), lambda i: (0, i, 0)),
        ],
        out_shape=[out_shape, out_shape],
    )(x, w_self, w_neigh, b.reshape(1, d_out))
    return s.reshape(2 * n, h), p.reshape(2 * n, h)


def _dense2_body(h_ref, ws_ref, wn_ref, b_ref, s_ref, p_ref):
    h0 = jnp.maximum(h_ref[0], 0.0)
    h1 = jnp.maximum(h_ref[1], 0.0)
    s = (jnp.dot(h0, ws_ref[0], preferred_element_type=jnp.float32)
         + jnp.dot(h1, ws_ref[1], preferred_element_type=jnp.float32)
         + b_ref[...])
    p = (jnp.dot(h0, wn_ref[0], preferred_element_type=jnp.float32)
         + jnp.dot(h1, wn_ref[1], preferred_element_type=jnp.float32))
    s_ref[0] = s
    s_ref[1] = jnp.zeros_like(s)
    p_ref[...] = p


def _dense2(hpre, w_self, w_neigh, b, bn):
    _, n, dh = hpre.shape
    d_out = w_self.shape[2]
    grid = (n // bn,)
    s, p = pl.pallas_call(
        _dense2_body,
        grid=grid,
        in_specs=[
            pl.BlockSpec((2, bn, dh), lambda i: (0, i, 0)),
            pl.BlockSpec((2, dh, d_out), lambda i: (0, 0, 0)),
            pl.BlockSpec((2, dh, d_out), lambda i: (0, 0, 0)),
            pl.BlockSpec((1, d_out), lambda i: (0, 0)),
        ],
        out_specs=[
            pl.BlockSpec((2, bn, d_out), lambda i: (0, i, 0)),
            pl.BlockSpec((bn, d_out), lambda i: (i, 0)),
        ],
        out_shape=[
            jax.ShapeDtypeStruct((2, n, d_out), jnp.float32),
            jax.ShapeDtypeStruct((n, d_out), jnp.float32),
        ],
    )(hpre, w_self, w_neigh, b.reshape(1, d_out))
    return s.reshape(2 * n, d_out), p


def _combine_body(a_ref, b_ref, o_ref):
    o_ref[...] = a_ref[...] + b_ref[...]


def _combine(o2, n, d_out, bn):
    return pl.pallas_call(
        _combine_body,
        grid=(n // bn,),
        in_specs=[
            pl.BlockSpec((bn, d_out), lambda i: (i, 0)),
            pl.BlockSpec((bn, d_out), lambda i: (i + n // bn, 0)),
        ],
        out_specs=pl.BlockSpec((bn, d_out), lambda i: (i, 0)),
        out_shape=jax.ShapeDtypeStruct((n, d_out), jnp.float32),
    )(o2, o2)


def _make_sc_agg(n, e_per_core, dh, chunk, snd_stride, rcv_stride, nph=1):
    ept = e_per_core // NS
    ept_ph = ept // nph
    nch_ph = ept_ph // chunk
    assert ept_ph % chunk == 0 and ept_ph % 8 == 0 and chunk % 8 == 0
    assert chunk <= 128
    npad = 16
    rows_a = ((n // NS + 7) // 8) * 8
    rows_last = n - rows_a * (NS - 1)
    mesh = plsc.VectorSubcoreMesh(core_axis_name="c", subcore_axis_name="s")

    @functools.partial(
        pl.kernel,
        out_type=jax.ShapeDtypeStruct((2 * n, dh), jnp.float32),
        mesh=mesh,
        scratch_types=[
            pltpu.VMEM((ept_ph,), jnp.int32),
            pltpu.VMEM((ept_ph,), jnp.int32),
            pltpu.VMEM((chunk, dh), jnp.float32),
            pltpu.VMEM_SHARED((n + npad, dh), jnp.float32),
        ],
    )
    def sc_agg(p_hbm, s_hbm, snd_hbm, rcv_hbm, out_hbm,
               snd_v, rcv_v, buf0, acc):
        c = lax.axis_index("c")
        t = lax.axis_index("s")
        base = t * rows_a

        @pl.when(t < NS - 1)
        def _():
            pltpu.sync_copy(s_hbm.at[pl.ds(c * n + base, rows_a)],
                            acc.at[pl.ds(base, rows_a)])

        @pl.when(t == NS - 1)
        def _():
            pltpu.sync_copy(s_hbm.at[pl.ds(c * n + base, rows_last)],
                            acc.at[pl.ds(base, rows_last)])

        plsc.subcore_barrier()

        for ph in range(nph):
            pltpu.sync_copy(
                snd_hbm.at[pl.ds(c * snd_stride + t * ept + ph * ept_ph,
                                 ept_ph)], snd_v)
            pltpu.sync_copy(
                rcv_hbm.at[pl.ds(c * rcv_stride + t * ept + ph * ept_ph,
                                 ept_ph)], rcv_v)

            @pl.loop(0, nch_ph)
            def _(j):
                pltpu.sync_copy(p_hbm.at[snd_v.at[pl.ds(j * chunk, chunk)]],
                                buf0)
                pltpu.sync_copy(buf0,
                                acc.at[rcv_v.at[pl.ds(j * chunk, chunk)]],
                                add=True)

        plsc.subcore_barrier()

        @pl.when(t < NS - 1)
        def _():
            pltpu.sync_copy(acc.at[pl.ds(base, rows_a)],
                            out_hbm.at[pl.ds(c * n + base, rows_a)])

        @pl.when(t == NS - 1)
        def _():
            pltpu.sync_copy(acc.at[pl.ds(base, rows_last)],
                            out_hbm.at[pl.ds(c * n + base, rows_last)])

    return sc_agg


def kernel(x, senders, receivers, W1_self, W1_neigh, b1, W2_self, W2_neigh, b2):
    n, d_in = x.shape
    d_hid = W1_self.shape[1]
    d_out = W2_self.shape[1]
    e = senders.shape[0]
    bn = 2000
    chunk1, chunk2 = 80, 40

    epad = e + ((-e) % (2 * NS * max(chunk1, 2 * chunk2)))
    pad = epad - e
    snd_p = jnp.concatenate(
        [senders.astype(jnp.int32), jnp.zeros((pad,), jnp.int32)])
    rcv_p = jnp.concatenate(
        [receivers.astype(jnp.int32),
         n + (jnp.arange(pad, dtype=jnp.int32) % 16)])
    snd2 = jnp.concatenate([snd_p, snd_p + n])

    s1, p1 = _dense1(x, W1_self, W1_neigh, b1, bn)
    hpre = _make_sc_agg(n, epad, d_hid // 2, chunk1, snd_stride=epad,
                        rcv_stride=0)(p1, s1, snd2, rcv_p)
    s2, p2 = _dense2(hpre.reshape(2, n, d_hid // 2),
                     W2_self.reshape(2, d_hid // 2, d_out),
                     W2_neigh.reshape(2, d_hid // 2, d_out), b2, bn)
    e2 = epad // 2
    o2 = _make_sc_agg(n, e2, d_out, chunk2, snd_stride=e2, rcv_stride=e2)(
        p2, s2, snd_p, rcv_p)
    return _combine(o2, n, d_out, bn)

# --- scband reference (transcript-rebuilt; emitter-appended) ---
"""Pipeline reference for scband-gcnmodel-90460601189314 (READ-ONLY COPY).

The authoritative reference and input builder live on the scoring server;
editing this copy changes nothing except your own understanding.
"""

import jax, jax.numpy as jnp
import numpy as np

N = 10000
E = 160000
IN_DIM = 256
HIDDEN_DIM = 256
NUM_CLASSES = 128


def setup_inputs(seed: int = 0) -> dict:
    key = jax.random.key(seed)
    ks = jax.random.split(key, 10)
    x = jax.random.normal(ks[0], (N, IN_DIM), dtype=jnp.float32)
    senders = jax.random.randint(ks[1], (E,), 0, N, dtype=jnp.int64 if jax.config.jax_enable_x64 else jnp.int32).astype(jnp.int32)
    receivers = jax.random.randint(ks[2], (E,), 0, N, dtype=jnp.int64 if jax.config.jax_enable_x64 else jnp.int32).astype(jnp.int32)
    # GraphConv layer 1 params (self weight, neighbor weight, bias)
    W1_self = jax.random.normal(ks[3], (IN_DIM, HIDDEN_DIM), dtype=jnp.float32) * (1.0 / np.sqrt(IN_DIM))
    W1_neigh = jax.random.normal(ks[4], (IN_DIM, HIDDEN_DIM), dtype=jnp.float32) * (1.0 / np.sqrt(IN_DIM))
    b1 = jnp.zeros((HIDDEN_DIM,), dtype=jnp.float32)
    # GraphConv layer 2 params
    W2_self = jax.random.normal(ks[5], (HIDDEN_DIM, NUM_CLASSES), dtype=jnp.float32) * (1.0 / np.sqrt(HIDDEN_DIM))
    W2_neigh = jax.random.normal(ks[6], (HIDDEN_DIM, NUM_CLASSES), dtype=jnp.float32) * (1.0 / np.sqrt(HIDDEN_DIM))
    b2 = jnp.zeros((NUM_CLASSES,), dtype=jnp.float32)
    return {
        "x": x,
        "senders": senders,
        "receivers": receivers,
        "W1_self": W1_self,
        "W1_neigh": W1_neigh,
        "b1": b1,
        "W2_self": W2_self,
        "W2_neigh": W2_neigh,
        "b2": b2,
    }


def _graph_conv(x, senders, receivers, W_self, W_neigh, b):
    # GraphConv: out_i = W_self^T x_i + W_neigh^T sum_{j: (j->i) in E} x_j + b
    msgs = jnp.take(x, senders, axis=0)                # gather  [E, d]
    agg = jax.ops.segment_sum(msgs, receivers, num_segments=x.shape[0])  # scatter-add [N, d]
    return x @ W_self + agg @ W_neigh + b


def reference(x, senders, receivers, W1_self, W1_neigh, b1, W2_self, W2_neigh, b2):
    h = jax.nn.relu(_graph_conv(x, senders, receivers, W1_self, W1_neigh, b1))
    out = _graph_conv(h, senders, receivers, W2_self, W2_neigh, b2)
    return out

if __name__ == "__main__":
    import jax
    _d = setup_inputs()
    print(jax.jit(kernel)(*tuple(_d.values())))

</pallas_src>

<mosaic_0001>
#map = affine_map<(d0, d1) -> (0, 0)>
#map1 = affine_map<(d0, d1) -> (0)>
module attributes {stable_mosaic.version = 14 : i64} {
  func.func @sc_agg(%arg0: i32, %arg1: i32, %arg2: memref<10000x128xf32, #tpu.memory_space<hbm>>, %arg3: memref<20000x128xf32, #tpu.memory_space<hbm>>, %arg4: memref<161280xi32, #tpu.memory_space<hbm>>, %arg5: memref<161280xi32, #tpu.memory_space<hbm>>, %arg6: memref<20000x128xf32, #tpu.memory_space<hbm>>, %arg7: memref<5040xi32, #tpu.memory_space<vmem>>, %arg8: memref<5040xi32, #tpu.memory_space<vmem>>, %arg9: memref<40x128xf32, #tpu.memory_space<vmem>>, %arg10: memref<10016x128xf32, #tpu.memory_space<vmem_shared>>) attributes {dimension_semantics = [#tpu.dimension_semantics<core_parallel>, #tpu.dimension_semantics<subcore_parallel>], iteration_bounds = array<i64: 2, 16>, scalar_prefetch = 0 : i64, scratch_operands = 4 : i64, tpu.core_type = #tpu.core_type<sc_vector_subcore>, window_params = [{transform_indices = #map}, {transform_indices = #map}, {transform_indices = #map1}, {transform_indices = #map1}, {transform_indices = #map}]} {
    %mul3A = arith.constant 632 : i32
    %mul3A_0 = arith.muli %arg1, %mul3A : i32
    %lt3A = arith.constant 15 : i32
    %lt3A_1 = arith.cmpi slt, %arg1, %lt3A : i32
    %convert_element_type3A = arith.extui %lt3A_1 : i1 to i32
    %cond3A = arith.constant 0 : i32
    %cond3A_2 = arith.cmpi ne, %convert_element_type3A, %cond3A : i32
    scf.if %cond3A_2 {
      %mul3A_35 = arith.constant 10000 : i32
      %mul3A_36 = arith.muli %arg0, %mul3A_35 : i32
      %add3A_37 = arith.addi %mul3A_36, %mul3A_0 : i32
      "tpu.region"() ({
        %run_scoped3A = tpu.sem_alloc : memref<!tpu.dma_semaphore, #tpu.memory_space<semaphore_mem>>
        %dma_start3A = arith.constant 0 : i32
        %dma_start3A_38 = tpu.memref_slice %arg10[%mul3A_0, %dma_start3A] : memref<10016x128xf32, #tpu.memory_space<vmem_shared>> -> memref<632x128xf32, #tpu.memory_space<vmem_shared>>
        %dma_start3A_39 = arith.constant 0 : i32
        %dma_start3A_40 = tpu.memref_slice %arg3[%add3A_37, %dma_start3A_39] : memref<20000x128xf32, #tpu.memory_space<hbm>> -> memref<632x128xf32, #tpu.memory_space<hbm>>
        tpu.enqueue_dma source(%dma_start3A_40 : memref<632x128xf32, #tpu.memory_space<hbm>>) target(%dma_start3A_38 : memref<632x128xf32, #tpu.memory_space<vmem_shared>>) target_semaphore(%run_scoped3A : memref<!tpu.dma_semaphore, #tpu.memory_space<semaphore_mem>>)
        %dma_wait3A = arith.constant 0 : i32
        %dma_wait3A_41 = tpu.memref_slice %arg10[%mul3A_0, %dma_wait3A] : memref<10016x128xf32, #tpu.memory_space<vmem_shared>> -> memref<632x128xf32, #tpu.memory_space<vmem_shared>>
        %dma_wait3A_42 = arith.constant 0 : i32
        %dma_wait3A_43 = tpu.memref_slice %arg3[%add3A_37, %dma_wait3A_42] : memref<20000x128xf32, #tpu.memory_space<hbm>> -> memref<632x128xf32, #tpu.memory_space<hbm>>
        tpu.wait_dma2 semaphore(%run_scoped3A : memref<!tpu.dma_semaphore, #tpu.memory_space<semaphore_mem>>) src(%dma_wait3A_43 : memref<632x128xf32, #tpu.memory_space<hbm>>) dst(%dma_wait3A_41 : memref<632x128xf32, #tpu.memory_space<vmem_shared>>)
        tpu.yield
      }) : () -> ()
    } else {
    }
    %eq3A = arith.constant 15 : i32
    %eq3A_3 = arith.cmpi eq, %arg1, %eq3A : i32
    %convert_element_type3A_4 = arith.extui %eq3A_3 : i1 to i32
    %cond3A_5 = arith.constant 0 : i32
    %cond3A_6 = arith.cmpi ne, %convert_element_type3A_4, %cond3A_5 : i32
    scf.if %cond3A_6 {
      %mul3A_35 = arith.constant 10000 : i32
      %mul3A_36 = arith.muli %arg0, %mul3A_35 : i32
      %add3A_37 = arith.addi %mul3A_36, %mul3A_0 : i32
      "tpu.region"() ({
        %run_scoped3A = tpu.sem_alloc : memref<!tpu.dma_semaphore, #tpu.memory_space<semaphore_mem>>
        %dma_start3A = arith.constant 0 : i32
        %dma_start3A_38 = tpu.memref_slice %arg10[%mul3A_0, %dma_start3A] : memref<10016x128xf32, #tpu.memory_space<vmem_shared>> -> memref<520x128xf32, #tpu.memory_space<vmem_shared>>
        %dma_start3A_39 = arith.constant 0 : i32
        %dma_start3A_40 = tpu.memref_slice %arg3[%add3A_37, %dma_start3A_39] : memref<20000x128xf32, #tpu.memory_space<hbm>> -> memref<520x128xf32, #tpu.memory_space<hbm>>
        tpu.enqueue_dma source(%dma_start3A_40 : memref<520x128xf32, #tpu.memory_space<hbm>>) target(%dma_start3A_38 : memref<520x128xf32, #tpu.memory_space<vmem_shared>>) target_semaphore(%run_scoped3A : memref<!tpu.dma_semaphore, #tpu.memory_space<semaphore_mem>>)
        %dma_wait3A = arith.constant 0 : i32
        %dma_wait3A_41 = tpu.memref_slice %arg10[%mul3A_0, %dma_wait3A] : memref<10016x128xf32, #tpu.memory_space<vmem_shared>> -> memref<520x128xf32, #tpu.memory_space<vmem_shared>>
        %dma_wait3A_42 = arith.constant 0 : i32
        %dma_wait3A_43 = tpu.memref_slice %arg3[%add3A_37, %dma_wait3A_42] : memref<20000x128xf32, #tpu.memory_space<hbm>> -> memref<520x128xf32, #tpu.memory_space<hbm>>
        tpu.wait_dma2 semaphore(%run_scoped3A : memref<!tpu.dma_semaphore, #tpu.memory_space<semaphore_mem>>) src(%dma_wait3A_43 : memref<520x128xf32, #tpu.memory_space<hbm>>) dst(%dma_wait3A_41 : memref<520x128xf32, #tpu.memory_space<vmem_shared>>)
        tpu.yield
      }) : () -> ()
    } else {
    }
    %barrier3A = arith.constant 0 : index
    tpu.barrier barrier_id(%barrier3A)
    %mul3A_7 = arith.constant 80640 : i32
    %mul3A_8 = arith.muli %arg0, %mul3A_7 : i32
    %mul3A_9 = arith.constant 5040 : i32
    %mul3A_10 = arith.muli %arg1, %mul3A_9 : i32
    %add3A = arith.addi %mul3A_8, %mul3A_10 : i32
    %add3A_11 = arith.constant 0 : i32
    %add3A_12 = arith.addi %add3A, %add3A_11 : i32
    "tpu.region"() ({
      %run_scoped3A = tpu.sem_alloc : memref<!tpu.dma_semaphore, #tpu.memory_space<semaphore_mem>>
      %dma_start3A = tpu.memref_slice %arg4[%add3A_12] : memref<161280xi32, #tpu.memory_space<hbm>> -> memref<5040xi32, #tpu.memory_space<hbm>>
      %dma_start3A_35 = tpu.memref_slice %arg4[%add3A_12] : memref<161280xi32, #tpu.memory_space<hbm>> -> memref<5040xi32, #tpu.memory_space<hbm>>
      tpu.enqueue_dma source(%dma_start3A_35 : memref<5040xi32, #tpu.memory_space<hbm>>) target(%arg7 : memref<5040xi32, #tpu.memory_space<vmem>>) target_semaphore(%run_scoped3A : memref<!tpu.dma_semaphore, #tpu.memory_space<semaphore_mem>>)
      %dma_wait3A = tpu.memref_slice %arg4[%add3A_12] : memref<161280xi32, #tpu.memory_space<hbm>> -> memref<5040xi32, #tpu.memory_space<hbm>>
      %dma_wait3A_36 = tpu.memref_slice %arg4[%add3A_12] : memref<161280xi32, #tpu.memory_space<hbm>> -> memref<5040xi32, #tpu.memory_space<hbm>>
      tpu.wait_dma2 semaphore(%run_scoped3A : memref<!tpu.dma_semaphore, #tpu.memory_space<semaphore_mem>>) src(%dma_wait3A_36 : memref<5040xi32, #tpu.memory_space<hbm>>) dst(%arg7 : memref<5040xi32, #tpu.memory_space<vmem>>)
      tpu.yield
    }) : () -> ()
    %mul3A_13 = arith.constant 80640 : i32
    %mul3A_14 = arith.muli %arg0, %mul3A_13 : i32
    %mul3A_15 = arith.constant 5040 : i32
    %mul3A_16 = arith.muli %arg1, %mul3A_15 : i32
    %add3A_17 = arith.addi %mul3A_14, %mul3A_16 : i32
    %add3A_18 = arith.constant 0 : i32
    %add3A_19 = arith.addi %add3A_17, %add3A_18 : i32
    "tpu.region"() ({
      %run_scoped3A = tpu.sem_alloc : memref<!tpu.dma_semaphore, #tpu.memory_space<semaphore_mem>>
      %dma_start3A = tpu.memref_slice %arg5[%add3A_19] : memref<161280xi32, #tpu.memory_space<hbm>> -> memref<5040xi32, #tpu.memory_space<hbm>>
      %dma_start3A_35 = tpu.memref_slice %arg5[%add3A_19] : memref<161280xi32, #tpu.memory_space<hbm>> -> memref<5040xi32, #tpu.memory_space<hbm>>
      tpu.enqueue_dma source(%dma_start3A_35 : memref<5040xi32, #tpu.memory_space<hbm>>) target(%arg8 : memref<5040xi32, #tpu.memory_space<vmem>>) target_semaphore(%run_scoped3A : memref<!tpu.dma_semaphore, #tpu.memory_space<semaphore_mem>>)
      %dma_wait3A = tpu.memref_slice %arg5[%add3A_19] : memref<161280xi32, #tpu.memory_space<hbm>> -> memref<5040xi32, #tpu.memory_space<hbm>>
      %dma_wait3A_36 = tpu.memref_slice %arg5[%add3A_19] : memref<161280xi32, #tpu.memory_space<hbm>> -> memref<5040xi32, #tpu.memory_space<hbm>>
      tpu.wait_dma2 semaphore(%run_scoped3A : memref<!tpu.dma_semaphore, #tpu.memory_space<semaphore_mem>>) src(%dma_wait3A_36 : memref<5040xi32, #tpu.memory_space<hbm>>) dst(%arg8 : memref<5040xi32, #tpu.memory_space<vmem>>)
      tpu.yield
    }) : () -> ()
    %scan3A = arith.constant 0 : i32
    %scan3A_20 = arith.constant 126 : i32
    %scan3A_21 = arith.addi %scan3A, %scan3A_20 : i32
    %scan3A_22 = arith.constant 1 : i32
    scf.for %scan3A_35 = %scan3A to %scan3A_21 step %scan3A_22  : i32 {
      %mul3A_36 = arith.constant 1 : i32
      %mul3A_37 = arith.muli %scan3A_35, %mul3A_36 : i32
      %add3A_38 = arith.constant 0 : i32
      %add3A_39 = arith.addi %add3A_38, %mul3A_37 : i32
      %mul3A_40 = arith.constant 40 : i32
      %mul3A_41 = arith.muli %add3A_39, %mul3A_40 : i32
      "tpu.region"() ({
        %run_scoped3A = tpu.sem_alloc : memref<!tpu.dma_semaphore, #tpu.memory_space<semaphore_mem>>
        %dma_start3A = tpu.memref_slice %arg7[%mul3A_41] : memref<5040xi32, #tpu.memory_space<vmem>> -> memref<40xi32, #tpu.memory_space<vmem>>
        %dma_start3A_44 = arith.constant 0 : i32
        %dma_start3A_45 = arith.constant 0 : i32
        %dma_start3A_46 = tpu.memref_slice %arg2[%dma_start3A_44, %dma_start3A_45] : memref<10000x128xf32, #tpu.memory_space<hbm>> -> memref<10000x128xf32, #tpu.memory_space<hbm>>
        tpu.enqueue_indirect_dma source(%dma_start3A_46 : memref<10000x128xf32, #tpu.memory_space<hbm>>) target(%arg9 : memref<40x128xf32, #tpu.memory_space<vmem>>) offsets(%dma_start3A : memref<40xi32, #tpu.memory_space<vmem>>) semaphore(%run_scoped3A : memref<!tpu.dma_semaphore, #tpu.memory_space<semaphore_mem>>)
        %dma_wait3A = tpu.memref_slice %arg7[%mul3A_41] : memref<5040xi32, #tpu.memory_space<vmem>> -> memref<40xi32, #tpu.memory_space<vmem>>
        %dma_wait3A_47 = arith.constant 0 : i32
        %dma_wait3A_48 = arith.constant 0 : i32
        %dma_wait3A_49 = tpu.memref_slice %arg2[%dma_wait3A_47, %dma_wait3A_48] : memref<10000x128xf32, #tpu.memory_space<hbm>> -> memref<10000x128xf32, #tpu.memory_space<hbm>>
        tpu.wait_indirect_dma semaphore(%run_scoped3A : memref<!tpu.dma_semaphore, #tpu.memory_space<semaphore_mem>>) src(%dma_wait3A_49 : memref<10000x128xf32, #tpu.memory_space<hbm>>) dst(%arg9 : memref<40x128xf32, #tpu.memory_space<vmem>>)
        tpu.yield
      }) : () -> ()
      %mul3A_42 = arith.constant 40 : i32
      %mul3A_43 = arith.muli %add3A_39, %mul3A_42 : i32
      "tpu.region"() ({
        %run_scoped3A = tpu.sem_alloc : memref<!tpu.dma_semaphore, #tpu.memory_space<semaphore_mem>>
        %dma_start3A = tpu.memref_slice %arg8[%mul3A_43] : memref<5040xi32, #tpu.memory_space<vmem>> -> memref<40xi32, #tpu.memory_space<vmem>>
        %dma_start3A_44 = arith.constant 0 : i32
        %dma_start3A_45 = arith.constant 0 : i32
        %dma_start3A_46 = tpu.memref_slice %arg10[%dma_start3A_44, %dma_start3A_45] : memref<10016x128xf32, #tpu.memory_space<vmem_shared>> -> memref<10016x128xf32, #tpu.memory_space<vmem_shared>>
        tpu.enqueue_indirect_dma source(%arg9 : memref<40x128xf32, #tpu.memory_space<vmem>>) target(%dma_start3A_46 : memref<10016x128xf32, #tpu.memory_space<vmem_shared>>) offsets(%dma_start3A : memref<40xi32, #tpu.memory_space<vmem>>) semaphore(%run_scoped3A : memref<!tpu.dma_semaphore, #tpu.memory_space<semaphore_mem>>) {add = true}
        %dma_wait3A = tpu.memref_slice %arg8[%mul3A_43] : memref<5040xi32, #tpu.memory_space<vmem>> -> memref<40xi32, #tpu.memory_space<vmem>>
        %dma_wait3A_47 = arith.constant 0 : i32
        %dma_wait3A_48 = arith.constant 0 : i32
        %dma_wait3A_49 = tpu.memref_slice %arg10[%dma_wait3A_47, %dma_wait3A_48] : memref<10016x128xf32, #tpu.memory_space<vmem_shared>> -> memref<10016x128xf32, #tpu.memory_space<vmem_shared>>
        tpu.wait_indirect_dma semaphore(%run_scoped3A : memref<!tpu.dma_semaphore, #tpu.memory_space<semaphore_mem>>) src(%arg9 : memref<40x128xf32, #tpu.memory_space<vmem>>) dst(%dma_wait3A_49 : memref<10016x128xf32, #tpu.memory_space<vmem_shared>>)
        tpu.yield
      }) : () -> ()
    }
    %scan3A_23 = arith.constant 126 : i32
    %barrier3A_24 = arith.constant 0 : index
    tpu.barrier barrier_id(%barrier3A_24)
    %lt3A_25 = arith.constant 15 : i32
    %lt3A_26 = arith.cmpi slt, %arg1, %lt3A_25 : i32
    %convert_element_type3A_27 = arith.extui %lt3A_26 : i1 to i32
    %cond3A_28 = arith.constant 0 : i32
    %cond3A_29 = arith.cmpi ne, %convert_element_type3A_27, %cond3A_28 : i32
    scf.if %cond3A_29 {
      %mul3A_35 = arith.constant 10000 : i32
      %mul3A_36 = arith.muli %arg0, %mul3A_35 : i32
      %add3A_37 = arith.addi %mul3A_36, %mul3A_0 : i32
      "tpu.region"() ({
        %run_scoped3A = tpu.sem_alloc : memref<!tpu.dma_semaphore, #tpu.memory_space<semaphore_mem>>
        %dma_start3A = arith.constant 0 : i32
        %dma_start3A_38 = tpu.memref_slice %arg6[%add3A_37, %dma_start3A] : memref<20000x128xf32, #tpu.memory_space<hbm>> -> memref<632x128xf32, #tpu.memory_space<hbm>>
        %dma_start3A_39 = arith.constant 0 : i32
        %dma_start3A_40 = tpu.memref_slice %arg10[%mul3A_0, %dma_start3A_39] : memref<10016x128xf32, #tpu.memory_space<vmem_shared>> -> memref<632x128xf32, #tpu.memory_space<vmem_shared>>
        tpu.enqueue_dma source(%dma_start3A_40 : memref<632x128xf32, #tpu.memory_space<vmem_shared>>) target(%dma_start3A_38 : memref<632x128xf32, #tpu.memory_space<hbm>>) target_semaphore(%run_scoped3A : memref<!tpu.dma_semaphore, #tpu.memory_space<semaphore_mem>>)
        %dma_wait3A = arith.constant 0 : i32
        %dma_wait3A_41 = tpu.memref_slice %arg6[%add3A_37, %dma_wait3A] : memref<20000x128xf32, #tpu.memory_space<hbm>> -> memref<632x128xf32, #tpu.memory_space<hbm>>
        %dma_wait3A_42 = arith.constant 0 : i32
        %dma_wait3A_43 = tpu.memref_slice %arg10[%mul3A_0, %dma_wait3A_42] : memref<10016x128xf32, #tpu.memory_space<vmem_shared>> -> memref<632x128xf32, #tpu.memory_space<vmem_shared>>
        tpu.wait_dma2 semaphore(%run_scoped3A : memref<!tpu.dma_semaphore, #tpu.memory_space<semaphore_mem>>) src(%dma_wait3A_43 : memref<632x128xf32, #tpu.memory_space<vmem_shared>>) dst(%dma_wait3A_41 : memref<632x128xf32, #tpu.memory_space<hbm>>)
        tpu.yield
      }) : () -> ()
    } else {
    }
    %eq3A_30 = arith.constant 15 : i32
    %eq3A_31 = arith.cmpi eq, %arg1, %eq3A_30 : i32
    %convert_element_type3A_32 = arith.extui %eq3A_31 : i1 to i32
    %cond3A_33 = arith.constant 0 : i32
    %cond3A_34 = arith.cmpi ne, %convert_element_type3A_32, %cond3A_33 : i32
    scf.if %cond3A_34 {
      %mul3A_35 = arith.constant 10000 : i32
      %mul3A_36 = arith.muli %arg0, %mul3A_35 : i32
      %add3A_37 = arith.addi %mul3A_36, %mul3A_0 : i32
      "tpu.region"() ({
        %run_scoped3A = tpu.sem_alloc : memref<!tpu.dma_semaphore, #tpu.memory_space<semaphore_mem>>
        %dma_start3A = arith.constant 0 : i32
        %dma_start3A_38 = tpu.memref_slice %arg6[%add3A_37, %dma_start3A] : memref<20000x128xf32, #tpu.memory_space<hbm>> -> memref<520x128xf32, #tpu.memory_space<hbm>>
        %dma_start3A_39 = arith.constant 0 : i32
        %dma_start3A_40 = tpu.memref_slice %arg10[%mul3A_0, %dma_start3A_39] : memref<10016x128xf32, #tpu.memory_space<vmem_shared>> -> memref<520x128xf32, #tpu.memory_space<vmem_shared>>
        tpu.enqueue_dma source(%dma_start3A_40 : memref<520x128xf32, #tpu.memory_space<vmem_shared>>) target(%dma_start3A_38 : memref<520x128xf32, #tpu.memory_space<hbm>>) target_semaphore(%run_scoped3A : memref<!tpu.dma_semaphore, #tpu.memory_space<semaphore_mem>>)
        %dma_wait3A = arith.constant 0 : i32
        %dma_wait3A_41 = tpu.memref_slice %arg6[%add3A_37, %dma_wait3A] : memref<20000x128xf32, #tpu.memory_space<hbm>> -> memref<520x128xf32, #tpu.memory_space<hbm>>
        %dma_wait3A_42 = arith.constant 0 : i32
        %dma_wait3A_43 = tpu.memref_slice %arg10[%mul3A_0, %dma_wait3A_42] : memref<10016x128xf32, #tpu.memory_space<vmem_shared>> -> memref<520x128xf32, #tpu.memory_space<vmem_shared>>
        tpu.wait_dma2 semaphore(%run_scoped3A : memref<!tpu.dma_semaphore, #tpu.memory_space<semaphore_mem>>) src(%dma_wait3A_43 : memref<520x128xf32, #tpu.memory_space<vmem_shared>>) dst(%dma_wait3A_41 : memref<520x128xf32, #tpu.memory_space<hbm>>)
        tpu.yield
      }) : () -> ()
    } else {
    }
    return
  }
}

#map = affine_map<(d0, d1) -> (0, 0)>
#map1 = affine_map<(d0, d1) -> (0)>
module attributes {stable_mosaic.version = 14 : i64} {
  func.func @sc_agg(%arg0: i32, %arg1: i32, %arg2: memref<20000x128xf32, #tpu.memory_space<hbm>>, %arg3: memref<20000x128xf32, #tpu.memory_space<hbm>>, %arg4: memref<322560xi32, #tpu.memory_space<hbm>>, %arg5: memref<161280xi32, #tpu.memory_space<hbm>>, %arg6: memref<20000x128xf32, #tpu.memory_space<hbm>>, %arg7: memref<10080xi32, #tpu.memory_space<vmem>>, %arg8: memref<10080xi32, #tpu.memory_space<vmem>>, %arg9: memref<80x128xf32, #tpu.memory_space<vmem>>, %arg10: memref<10016x128xf32, #tpu.memory_space<vmem_shared>>) attributes {dimension_semantics = [#tpu.dimension_semantics<core_parallel>, #tpu.dimension_semantics<subcore_parallel>], iteration_bounds = array<i64: 2, 16>, scalar_prefetch = 0 : i64, scratch_operands = 4 : i64, tpu.core_type = #tpu.core_type<sc_vector_subcore>, window_params = [{transform_indices = #map}, {transform_indices = #map}, {transform_indices = #map1}, {transform_indices = #map1}, {transform_indices = #map}]} {
    %mul3A = arith.constant 632 : i32
    %mul3A_0 = arith.muli %arg1, %mul3A : i32
    %lt3A = arith.constant 15 : i32
    %lt3A_1 = arith.cmpi slt, %arg1, %lt3A : i32
    %convert_element_type3A = arith.extui %lt3A_1 : i1 to i32
    %cond3A = arith.constant 0 : i32
    %cond3A_2 = arith.cmpi ne, %convert_element_type3A, %cond3A : i32
    scf.if %cond3A_2 {
      %mul3A_35 = arith.constant 10000 : i32
      %mul3A_36 = arith.muli %arg0, %mul3A_35 : i32
      %add3A_37 = arith.addi %mul3A_36, %mul3A_0 : i32
      "tpu.region"() ({
        %run_scoped3A = tpu.sem_alloc : memref<!tpu.dma_semaphore, #tpu.memory_space<semaphore_mem>>
        %dma_start3A = arith.constant 0 : i32
        %dma_start3A_38 = tpu.memref_slice %arg10[%mul3A_0, %dma_start3A] : memref<10016x128xf32, #tpu.memory_space<vmem_shared>> -> memref<632x128xf32, #tpu.memory_space<vmem_shared>>
        %dma_start3A_39 = arith.constant 0 : i32
        %dma_start3A_40 = tpu.memref_slice %arg3[%add3A_37, %dma_start3A_39] : memref<20000x128xf32, #tpu.memory_space<hbm>> -> memref<632x128xf32, #tpu.memory_space<hbm>>
        tpu.enqueue_dma source(%dma_start3A_40 : memref<632x128xf32, #tpu.memory_space<hbm>>) target(%dma_start3A_38 : memref<632x128xf32, #tpu.memory_space<vmem_shared>>) target_semaphore(%run_scoped3A : memref<!tpu.dma_semaphore, #tpu.memory_space<semaphore_mem>>)
        %dma_wait3A = arith.constant 0 : i32
        %dma_wait3A_41 = tpu.memref_slice %arg10[%mul3A_0, %dma_wait3A] : memref<10016x128xf32, #tpu.memory_space<vmem_shared>> -> memref<632x128xf32, #tpu.memory_space<vmem_shared>>
        %dma_wait3A_42 = arith.constant 0 : i32
        %dma_wait3A_43 = tpu.memref_slice %arg3[%add3A_37, %dma_wait3A_42] : memref<20000x128xf32, #tpu.memory_space<hbm>> -> memref<632x128xf32, #tpu.memory_space<hbm>>
        tpu.wait_dma2 semaphore(%run_scoped3A : memref<!tpu.dma_semaphore, #tpu.memory_space<semaphore_mem>>) src(%dma_wait3A_43 : memref<632x128xf32, #tpu.memory_space<hbm>>) dst(%dma_wait3A_41 : memref<632x128xf32, #tpu.memory_space<vmem_shared>>)
        tpu.yield
      }) : () -> ()
    } else {
    }
    %eq3A = arith.constant 15 : i32
    %eq3A_3 = arith.cmpi eq, %arg1, %eq3A : i32
    %convert_element_type3A_4 = arith.extui %eq3A_3 : i1 to i32
    %cond3A_5 = arith.constant 0 : i32
    %cond3A_6 = arith.cmpi ne, %convert_element_type3A_4, %cond3A_5 : i32
    scf.if %cond3A_6 {
      %mul3A_35 = arith.constant 10000 : i32
      %mul3A_36 = arith.muli %arg0, %mul3A_35 : i32
      %add3A_37 = arith.addi %mul3A_36, %mul3A_0 : i32
      "tpu.region"() ({
        %run_scoped3A = tpu.sem_alloc : memref<!tpu.dma_semaphore, #tpu.memory_space<semaphore_mem>>
        %dma_start3A = arith.constant 0 : i32
        %dma_start3A_38 = tpu.memref_slice %arg10[%mul3A_0, %dma_start3A] : memref<10016x128xf32, #tpu.memory_space<vmem_shared>> -> memref<520x128xf32, #tpu.memory_space<vmem_shared>>
        %dma_start3A_39 = arith.constant 0 : i32
        %dma_start3A_40 = tpu.memref_slice %arg3[%add3A_37, %dma_start3A_39] : memref<20000x128xf32, #tpu.memory_space<hbm>> -> memref<520x128xf32, #tpu.memory_space<hbm>>
        tpu.enqueue_dma source(%dma_start3A_40 : memref<520x128xf32, #tpu.memory_space<hbm>>) target(%dma_start3A_38 : memref<520x128xf32, #tpu.memory_space<vmem_shared>>) target_semaphore(%run_scoped3A : memref<!tpu.dma_semaphore, #tpu.memory_space<semaphore_mem>>)
        %dma_wait3A = arith.constant 0 : i32
        %dma_wait3A_41 = tpu.memref_slice %arg10[%mul3A_0, %dma_wait3A] : memref<10016x128xf32, #tpu.memory_space<vmem_shared>> -> memref<520x128xf32, #tpu.memory_space<vmem_shared>>
        %dma_wait3A_42 = arith.constant 0 : i32
        %dma_wait3A_43 = tpu.memref_slice %arg3[%add3A_37, %dma_wait3A_42] : memref<20000x128xf32, #tpu.memory_space<hbm>> -> memref<520x128xf32, #tpu.memory_space<hbm>>
        tpu.wait_dma2 semaphore(%run_scoped3A : memref<!tpu.dma_semaphore, #tpu.memory_space<semaphore_mem>>) src(%dma_wait3A_43 : memref<520x128xf32, #tpu.memory_space<hbm>>) dst(%dma_wait3A_41 : memref<520x128xf32, #tpu.memory_space<vmem_shared>>)
        tpu.yield
      }) : () -> ()
    } else {
    }
    %barrier3A = arith.constant 0 : index
    tpu.barrier barrier_id(%barrier3A)
    %mul3A_7 = arith.constant 161280 : i32
    %mul3A_8 = arith.muli %arg0, %mul3A_7 : i32
    %mul3A_9 = arith.constant 10080 : i32
    %mul3A_10 = arith.muli %arg1, %mul3A_9 : i32
    %add3A = arith.addi %mul3A_8, %mul3A_10 : i32
    %add3A_11 = arith.constant 0 : i32
    %add3A_12 = arith.addi %add3A, %add3A_11 : i32
    "tpu.region"() ({
      %run_scoped3A = tpu.sem_alloc : memref<!tpu.dma_semaphore, #tpu.memory_space<semaphore_mem>>
      %dma_start3A = tpu.memref_slice %arg4[%add3A_12] : memref<322560xi32, #tpu.memory_space<hbm>> -> memref<10080xi32, #tpu.memory_space<hbm>>
      %dma_start3A_35 = tpu.memref_slice %arg4[%add3A_12] : memref<322560xi32, #tpu.memory_space<hbm>> -> memref<10080xi32, #tpu.memory_space<hbm>>
      tpu.enqueue_dma source(%dma_start3A_35 : memref<10080xi32, #tpu.memory_space<hbm>>) target(%arg7 : memref<10080xi32, #tpu.memory_space<vmem>>) target_semaphore(%run_scoped3A : memref<!tpu.dma_semaphore, #tpu.memory_space<semaphore_mem>>)
      %dma_wait3A = tpu.memref_slice %arg4[%add3A_12] : memref<322560xi32, #tpu.memory_space<hbm>> -> memref<10080xi32, #tpu.memory_space<hbm>>
      %dma_wait3A_36 = tpu.memref_slice %arg4[%add3A_12] : memref<322560xi32, #tpu.memory_space<hbm>> -> memref<10080xi32, #tpu.memory_space<hbm>>
      tpu.wait_dma2 semaphore(%run_scoped3A : memref<!tpu.dma_semaphore, #tpu.memory_space<semaphore_mem>>) src(%dma_wait3A_36 : memref<10080xi32, #tpu.memory_space<hbm>>) dst(%arg7 : memref<10080xi32, #tpu.memory_space<vmem>>)
      tpu.yield
    }) : () -> ()
    %mul3A_13 = arith.constant 0 : i32
    %mul3A_14 = arith.muli %arg0, %mul3A_13 : i32
    %mul3A_15 = arith.constant 10080 : i32
    %mul3A_16 = arith.muli %arg1, %mul3A_15 : i32
    %add3A_17 = arith.addi %mul3A_14, %mul3A_16 : i32
    %add3A_18 = arith.constant 0 : i32
    %add3A_19 = arith.addi %add3A_17, %add3A_18 : i32
    "tpu.region"() ({
      %run_scoped3A = tpu.sem_alloc : memref<!tpu.dma_semaphore, #tpu.memory_space<semaphore_mem>>
      %dma_start3A = tpu.memref_slice %arg5[%add3A_19] : memref<161280xi32, #tpu.memory_space<hbm>> -> memref<10080xi32, #tpu.memory_space<hbm>>
      %dma_start3A_35 = tpu.memref_slice %arg5[%add3A_19] : memref<161280xi32, #tpu.memory_space<hbm>> -> memref<10080xi32, #tpu.memory_space<hbm>>
      tpu.enqueue_dma source(%dma_start3A_35 : memref<10080xi32, #tpu.memory_space<hbm>>) target(%arg8 : memref<10080xi32, #tpu.memory_space<vmem>>) target_semaphore(%run_scoped3A : memref<!tpu.dma_semaphore, #tpu.memory_space<semaphore_mem>>)
      %dma_wait3A = tpu.memref_slice %arg5[%add3A_19] : memref<161280xi32, #tpu.memory_space<hbm>> -> memref<10080xi32, #tpu.memory_space<hbm>>
      %dma_wait3A_36 = tpu.memref_slice %arg5[%add3A_19] : memref<161280xi32, #tpu.memory_space<hbm>> -> memref<10080xi32, #tpu.memory_space<hbm>>
      tpu.wait_dma2 semaphore(%run_scoped3A : memref<!tpu.dma_semaphore, #tpu.memory_space<semaphore_mem>>) src(%dma_wait3A_36 : memref<10080xi32, #tpu.memory_space<hbm>>) dst(%arg8 : memref<10080xi32, #tpu.memory_space<vmem>>)
      tpu.yield
    }) : () -> ()
    %scan3A = arith.constant 0 : i32
    %scan3A_20 = arith.constant 126 : i32
    %scan3A_21 = arith.addi %scan3A, %scan3A_20 : i32
    %scan3A_22 = arith.constant 1 : i32
    scf.for %scan3A_35 = %scan3A to %scan3A_21 step %scan3A_22  : i32 {
      %mul3A_36 = arith.constant 1 : i32
      %mul3A_37 = arith.muli %scan3A_35, %mul3A_36 : i32
      %add3A_38 = arith.constant 0 : i32
      %add3A_39 = arith.addi %add3A_38, %mul3A_37 : i32
      %mul3A_40 = arith.constant 80 : i32
      %mul3A_41 = arith.muli %add3A_39, %mul3A_40 : i32
      "tpu.region"() ({
        %run_scoped3A = tpu.sem_alloc : memref<!tpu.dma_semaphore, #tpu.memory_space<semaphore_mem>>
        %dma_start3A = tpu.memref_slice %arg7[%mul3A_41] : memref<10080xi32, #tpu.memory_space<vmem>> -> memref<80xi32, #tpu.memory_space<vmem>>
        %dma_start3A_44 = arith.constant 0 : i32
        %dma_start3A_45 = arith.constant 0 : i32
        %dma_start3A_46 = tpu.memref_slice %arg2[%dma_start3A_44, %dma_start3A_45] : memref<20000x128xf32, #tpu.memory_space<hbm>> -> memref<20000x128xf32, #tpu.memory_space<hbm>>
        tpu.enqueue_indirect_dma source(%dma_start3A_46 : memref<20000x128xf32, #tpu.memory_space<hbm>>) target(%arg9 : memref<80x128xf32, #tpu.memory_space<vmem>>) offsets(%dma_start3A : memref<80xi32, #tpu.memory_space<vmem>>) semaphore(%run_scoped3A : memref<!tpu.dma_semaphore, #tpu.memory_space<semaphore_mem>>)
        %dma_wait3A = tpu.memref_slice %arg7[%mul3A_41] : memref<10080xi32, #tpu.memory_space<vmem>> -> memref<80xi32, #tpu.memory_space<vmem>>
        %dma_wait3A_47 = arith.constant 0 : i32
        %dma_wait3A_48 = arith.constant 0 : i32
        %dma_wait3A_49 = tpu.memref_slice %arg2[%dma_wait3A_47, %dma_wait3A_48] : memref<20000x128xf32, #tpu.memory_space<hbm>> -> memref<20000x128xf32, #tpu.memory_space<hbm>>
        tpu.wait_indirect_dma semaphore(%run_scoped3A : memref<!tpu.dma_semaphore, #tpu.memory_space<semaphore_mem>>) src(%dma_wait3A_49 : memref<20000x128xf32, #tpu.memory_space<hbm>>) dst(%arg9 : memref<80x128xf32, #tpu.memory_space<vmem>>)
        tpu.yield
      }) : () -> ()
      %mul3A_42 = arith.constant 80 : i32
      %mul3A_43 = arith.muli %add3A_39, %mul3A_42 : i32
      "tpu.region"() ({
        %run_scoped3A = tpu.sem_alloc : memref<!tpu.dma_semaphore, #tpu.memory_space<semaphore_mem>>
        %dma_start3A = tpu.memref_slice %arg8[%mul3A_43] : memref<10080xi32, #tpu.memory_space<vmem>> -> memref<80xi32, #tpu.memory_space<vmem>>
        %dma_start3A_44 = arith.constant 0 : i32
        %dma_start3A_45 = arith.constant 0 : i32
        %dma_start3A_46 = tpu.memref_slice %arg10[%dma_start3A_44, %dma_start3A_45] : memref<10016x128xf32, #tpu.memory_space<vmem_shared>> -> memref<10016x128xf32, #tpu.memory_space<vmem_shared>>
        tpu.enqueue_indirect_dma source(%arg9 : memref<80x128xf32, #tpu.memory_space<vmem>>) target(%dma_start3A_46 : memref<10016x128xf32, #tpu.memory_space<vmem_shared>>) offsets(%dma_start3A : memref<80xi32, #tpu.memory_space<vmem>>) semaphore(%run_scoped3A : memref<!tpu.dma_semaphore, #tpu.memory_space<semaphore_mem>>) {add = true}
        %dma_wait3A = tpu.memref_slice %arg8[%mul3A_43] : memref<10080xi32, #tpu.memory_space<vmem>> -> memref<80xi32, #tpu.memory_space<vmem>>
        %dma_wait3A_47 = arith.constant 0 : i32
        %dma_wait3A_48 = arith.constant 0 : i32
        %dma_wait3A_49 = tpu.memref_slice %arg10[%dma_wait3A_47, %dma_wait3A_48] : memref<10016x128xf32, #tpu.memory_space<vmem_shared>> -> memref<10016x128xf32, #tpu.memory_space<vmem_shared>>
        tpu.wait_indirect_dma semaphore(%run_scoped3A : memref<!tpu.dma_semaphore, #tpu.memory_space<semaphore_mem>>) src(%arg9 : memref<80x128xf32, #tpu.memory_space<vmem>>) dst(%dma_wait3A_49 : memref<10016x128xf32, #tpu.memory_space<vmem_shared>>)
        tpu.yield
      }) : () -> ()
    }
    %scan3A_23 = arith.constant 126 : i32
    %barrier3A_24 = arith.constant 0 : index
    tpu.barrier barrier_id(%barrier3A_24)
    %lt3A_25 = arith.constant 15 : i32
    %lt3A_26 = arith.cmpi slt, %arg1, %lt3A_25 : i32
    %convert_element_type3A_27 = arith.extui %lt3A_26 : i1 to i32
    %cond3A_28 = arith.constant 0 : i32
    %cond3A_29 = arith.cmpi ne, %convert_element_type3A_27, %cond3A_28 : i32
    scf.if %cond3A_29 {
      %mul3A_35 = arith.constant 10000 : i32
      %mul3A_36 = arith.muli %arg0, %mul3A_35 : i32
      %add3A_37 = arith.addi %mul3A_36, %mul3A_0 : i32
      "tpu.region"() ({
        %run_scoped3A = tpu.sem_alloc : memref<!tpu.dma_semaphore, #tpu.memory_space<semaphore_mem>>
        %dma_start3A = arith.constant 0 : i32
        %dma_start3A_38 = tpu.memref_slice %arg6[%add3A_37, %dma_start3A] : memref<20000x128xf32, #tpu.memory_space<hbm>> -> memref<632x128xf32, #tpu.memory_space<hbm>>
        %dma_start3A_39 = arith.constant 0 : i32
        %dma_start3A_40 = tpu.memref_slice %arg10[%mul3A_0, %dma_start3A_39] : memref<10016x128xf32, #tpu.memory_space<vmem_shared>> -> memref<632x128xf32, #tpu.memory_space<vmem_shared>>
        tpu.enqueue_dma source(%dma_start3A_40 : memref<632x128xf32, #tpu.memory_space<vmem_shared>>) target(%dma_start3A_38 : memref<632x128xf32, #tpu.memory_space<hbm>>) target_semaphore(%run_scoped3A : memref<!tpu.dma_semaphore, #tpu.memory_space<semaphore_mem>>)
        %dma_wait3A = arith.constant 0 : i32
        %dma_wait3A_41 = tpu.memref_slice %arg6[%add3A_37, %dma_wait3A] : memref<20000x128xf32, #tpu.memory_space<hbm>> -> memref<632x128xf32, #tpu.memory_space<hbm>>
        %dma_wait3A_42 = arith.constant 0 : i32
        %dma_wait3A_43 = tpu.memref_slice %arg10[%mul3A_0, %dma_wait3A_42] : memref<10016x128xf32, #tpu.memory_space<vmem_shared>> -> memref<632x128xf32, #tpu.memory_space<vmem_shared>>
        tpu.wait_dma2 semaphore(%run_scoped3A : memref<!tpu.dma_semaphore, #tpu.memory_space<semaphore_mem>>) src(%dma_wait3A_43 : memref<632x128xf32, #tpu.memory_space<vmem_shared>>) dst(%dma_wait3A_41 : memref<632x128xf32, #tpu.memory_space<hbm>>)
        tpu.yield
      }) : () -> ()
    } else {
    }
    %eq3A_30 = arith.constant 15 : i32
    %eq3A_31 = arith.cmpi eq, %arg1, %eq3A_30 : i32
    %convert_element_type3A_32 = arith.extui %eq3A_31 : i1 to i32
    %cond3A_33 = arith.constant 0 : i32
    %cond3A_34 = arith.cmpi ne, %convert_element_type3A_32, %cond3A_33 : i32
    scf.if %cond3A_34 {
      %mul3A_35 = arith.constant 10000 : i32
      %mul3A_36 = arith.muli %arg0, %mul3A_35 : i32
      %add3A_37 = arith.addi %mul3A_36, %mul3A_0 : i32
      "tpu.region"() ({
        %run_scoped3A = tpu.sem_alloc : memref<!tpu.dma_semaphore, #tpu.memory_space<semaphore_mem>>
        %dma_start3A = arith.constant 0 : i32
        %dma_start3A_38 = tpu.memref_slice %arg6[%add3A_37, %dma_start3A] : memref<20000x128xf32, #tpu.memory_space<hbm>> -> memref<520x128xf32, #tpu.memory_space<hbm>>
        %dma_start3A_39 = arith.constant 0 : i32
        %dma_start3A_40 = tpu.memref_slice %arg10[%mul3A_0, %dma_start3A_39] : memref<10016x128xf32, #tpu.memory_space<vmem_shared>> -> memref<520x128xf32, #tpu.memory_space<vmem_shared>>
        tpu.enqueue_dma source(%dma_start3A_40 : memref<520x128xf32, #tpu.memory_space<vmem_shared>>) target(%dma_start3A_38 : memref<520x128xf32, #tpu.memory_space<hbm>>) target_semaphore(%run_scoped3A : memref<!tpu.dma_semaphore, #tpu.memory_space<semaphore_mem>>)
        %dma_wait3A = arith.constant 0 : i32
        %dma_wait3A_41 = tpu.memref_slice %arg6[%add3A_37, %dma_wait3A] : memref<20000x128xf32, #tpu.memory_space<hbm>> -> memref<520x128xf32, #tpu.memory_space<hbm>>
        %dma_wait3A_42 = arith.constant 0 : i32
        %dma_wait3A_43 = tpu.memref_slice %arg10[%mul3A_0, %dma_wait3A_42] : memref<10016x128xf32, #tpu.memory_space<vmem_shared>> -> memref<520x128xf32, #tpu.memory_space<vmem_shared>>
        tpu.wait_dma2 semaphore(%run_scoped3A : memref<!tpu.dma_semaphore, #tpu.memory_space<semaphore_mem>>) src(%dma_wait3A_43 : memref<520x128xf32, #tpu.memory_space<vmem_shared>>) dst(%dma_wait3A_41 : memref<520x128xf32, #tpu.memory_space<hbm>>)
        tpu.yield
      }) : () -> ()
    } else {
    }
    return
  }
}

module attributes {stable_mosaic.version = 14 : i64} {
  func.func @_dense1_body(%arg0: i32, %arg1: memref<2000x256xf32, #tpu.memory_space<vmem>>, %arg2: memref<256x256xf32, #tpu.memory_space<vmem>>, %arg3: memref<256x256xf32, #tpu.memory_space<vmem>>, %arg4: memref<1x256xf32, #tpu.memory_space<vmem>>, %arg5: memref<2x2000x128xf32, #tpu.memory_space<vmem>>, %arg6: memref<2x2000x128xf32, #tpu.memory_space<vmem>>) attributes {dimension_semantics = [#tpu.dimension_semantics<arbitrary>], iteration_bounds = array<i64: 5>, scalar_prefetch = 0 : i64, scratch_operands = 0 : i64, tpu.core_type = #tpu.core_type<tc>, window_params = [{transform_indices = @transform_0, window_bounds = array<i64: 2000, 256>}, {pipeline_mode = #tpu.pipeline_mode<synchronous>, transform_indices = @transform_1, window_bounds = array<i64: 256, 256>}, {pipeline_mode = #tpu.pipeline_mode<synchronous>, transform_indices = @transform_2, window_bounds = array<i64: 256, 256>}, {pipeline_mode = #tpu.pipeline_mode<synchronous>, transform_indices = @transform_3, window_bounds = array<i64: 1, 256>}, {transform_indices = @transform_4, window_bounds = array<i64: 2, 2000, 128>}, {transform_indices = @transform_5, window_bounds = array<i64: 2, 2000, 128>}]} {
    %get3A = arith.constant 0 : index
    %get3A_0 = arith.constant 0 : index
    %get3A_1 = vector.load %arg1[%get3A, %get3A_0] : memref<2000x256xf32, #tpu.memory_space<vmem>>, vector<2000x256xf32>
    %get3A_2 = arith.constant 0 : index
    %get3A_3 = arith.constant 0 : index
    %get3A_4 = vector.load %arg2[%get3A_2, %get3A_3] : memref<256x256xf32, #tpu.memory_space<vmem>>, vector<256x256xf32>
    %dot_general3A = arith.constant dense<0.000000e+00> : vector<2000x256xf32>
    %dot_general3A_5 = tpu.matmul %get3A_1, %get3A_4, %dot_general3A {dimension_numbers = #tpu.dot_dimension_numbers<[1], [0], [0], [1], [0, 0, 1, 1], [], []>, transpose_lhs_hint = false} : vector<2000x256xf32>, vector<256x256xf32>, vector<2000x256xf32> -> vector<2000x256xf32>
    %get3A_6 = arith.constant 0 : index
    %get3A_7 = arith.constant 0 : index
    %get3A_8 = vector.load %arg4[%get3A_6, %get3A_7] : memref<1x256xf32, #tpu.memory_space<vmem>>, vector<1x256xf32>
    %add3A = vector.broadcast %get3A_8 : vector<1x256xf32> to vector<2000x256xf32>
    %add3A_9 = arith.addf %dot_general3A_5, %add3A : vector<2000x256xf32>
    %get3A_10 = arith.constant 0 : index
    %get3A_11 = arith.constant 0 : index
    %get3A_12 = vector.load %arg3[%get3A_10, %get3A_11] : memref<256x256xf32, #tpu.memory_space<vmem>>, vector<256x256xf32>
    %dot_general3A_13 = arith.constant dense<0.000000e+00> : vector<2000x256xf32>
    %dot_general3A_14 = tpu.matmul %get3A_1, %get3A_12, %dot_general3A_13 {dimension_numbers = #tpu.dot_dimension_numbers<[1], [0], [0], [1], [0, 0, 1, 1], [], []>, transpose_lhs_hint = false} : vector<2000x256xf32>, vector<256x256xf32>, vector<2000x256xf32> -> vector<2000x256xf32>
    %slice3A = vector.extract_strided_slice %add3A_9 {offsets = [0, 0], sizes = [2000, 128], strides = [1, 1]} : vector<2000x256xf32> to vector<2000x128xf32>
    %swap3A = arith.constant 0 : index
    %swap3A_15 = arith.constant 0 : index
    %swap3A_16 = arith.constant 0 : index
    %swap3A_17 = vector.load %arg5[%swap3A, %swap3A_15, %swap3A_16] : memref<2x2000x128xf32, #tpu.memory_space<vmem>>, vector<1x2000x128xf32>
    %swap3A_18 = vector.shape_cast %swap3A_17 : vector<1x2000x128xf32> to vector<2000x128xf32>
    %swap3A_19 = vector.shape_cast %slice3A : vector<2000x128xf32> to vector<1x2000x128xf32>
    tpu.vector_store %arg5[%swap3A, %swap3A_15, %swap3A_16], %swap3A_19 {strides = array<i32>} : memref<2x2000x128xf32, #tpu.memory_space<vmem>>, vector<1x2000x128xf32>,
    %slice3A_20 = vector.extract_strided_slice %add3A_9 {offsets = [0, 128], sizes = [2000, 128], strides = [1, 1]} : vector<2000x256xf32> to vector<2000x128xf32>
    %swap3A_21 = arith.constant 1 : index
    %swap3A_22 = arith.constant 0 : index
    %swap3A_23 = arith.constant 0 : index
    %swap3A_24 = vector.load %arg5[%swap3A_21, %swap3A_22, %swap3A_23] : memref<2x2000x128xf32, #tpu.memory_space<vmem>>, vector<1x2000x128xf32>
    %swap3A_25 = vector.shape_cast %swap3A_24 : vector<1x2000x128xf32> to vector<2000x128xf32>
    %swap3A_26 = vector.shape_cast %slice3A_20 : vector<2000x128xf32> to vector<1x2000x128xf32>
    tpu.vector_store %arg5[%swap3A_21, %swap3A_22, %swap3A_23], %swap3A_26 {strides = array<i32>} : memref<2x2000x128xf32, #tpu.memory_space<vmem>>, vector<1x2000x128xf32>,
    %slice3A_27 = vector.extract_strided_slice %dot_general3A_14 {offsets = [0, 0], sizes = [2000, 128], strides = [1, 1]} : vector<2000x256xf32> to vector<2000x128xf32>
    %swap3A_28 = arith.constant 0 : index
    %swap3A_29 = arith.constant 0 : index
    %swap3A_30 = arith.constant 0 : index
    %swap3A_31 = vector.load %arg6[%swap3A_28, %swap3A_29, %swap3A_30] : memref<2x2000x128xf32, #tpu.memory_space<vmem>>, vector<1x2000x128xf32>
    %swap3A_32 = vector.shape_cast %swap3A_31 : vector<1x2000x128xf32> to vector<2000x128xf32>
    %swap3A_33 = vector.shape_cast %slice3A_27 : vector<2000x128xf32> to vector<1x2000x128xf32>
    tpu.vector_store %arg6[%swap3A_28, %swap3A_29, %swap3A_30], %swap3A_33 {strides = array<i32>} : memref<2x2000x128xf32, #tpu.memory_space<vmem>>, vector<1x2000x128xf32>,
    %slice3A_34 = vector.extract_strided_slice %dot_general3A_14 {offsets = [0, 128], sizes = [2000, 128], strides = [1, 1]} : vector<2000x256xf32> to vector<2000x128xf32>
    %swap3A_35 = arith.constant 1 : index
    %swap3A_36 = arith.constant 0 : index
    %swap3A_37 = arith.constant 0 : index
    %swap3A_38 = vector.load %arg6[%swap3A_35, %swap3A_36, %swap3A_37] : memref<2x2000x128xf32, #tpu.memory_space<vmem>>, vector<1x2000x128xf32>
    %swap3A_39 = vector.shape_cast %swap3A_38 : vector<1x2000x128xf32> to vector<2000x128xf32>
    %swap3A_40 = vector.shape_cast %slice3A_34 : vector<2000x128xf32> to vector<1x2000x128xf32>
    tpu.vector_store %arg6[%swap3A_35, %swap3A_36, %swap3A_37], %swap3A_40 {strides = array<i32>} : memref<2x2000x128xf32, #tpu.memory_space<vmem>>, vector<1x2000x128xf32>,
    return
  }
  func.func @transform_0(%arg0: i32) -> (i32, i32) {
    %c0_i32 = arith.constant 0 : i32
    %c0_i32_0 = arith.constant 0 : i32
    return %arg0, %c0_i32 : i32, i32
  }
  func.func @transform_1(%arg0: i32) -> (i32, i32) {
    %c0_i32 = arith.constant 0 : i32
    %c0_i32_0 = arith.constant 0 : i32
    %c0_i32_1 = arith.constant 0 : i32
    return %c0_i32, %c0_i32_0 : i32, i32
  }
  func.func @transform_2(%arg0: i32) -> (i32, i32) {
    %c0_i32 = arith.constant 0 : i32
    %c0_i32_0 = arith.constant 0 : i32
    %c0_i32_1 = arith.constant 0 : i32
    return %c0_i32, %c0_i32_0 : i32, i32
  }
  func.func @transform_3(%arg0: i32) -> (i32, i32) {
    %c0_i32 = arith.constant 0 : i32
    %c0_i32_0 = arith.constant 0 : i32
    %c0_i32_1 = arith.constant 0 : i32
    return %c0_i32, %c0_i32_0 : i32, i32
  }
  func.func @transform_4(%arg0: i32) -> (i32, i32, i32) {
    %c0_i32 = arith.constant 0 : i32
    %c0_i32_0 = arith.constant 0 : i32
    %c0_i32_1 = arith.constant 0 : i32
    return %c0_i32, %arg0, %c0_i32_0 : i32, i32, i32
  }
  func.func @transform_5(%arg0: i32) -> (i32, i32, i32) {
    %c0_i32 = arith.constant 0 : i32
    %c0_i32_0 = arith.constant 0 : i32
    %c0_i32_1 = arith.constant 0 : i32
    return %c0_i32, %arg0, %c0_i32_0 : i32, i32, i32
  }
}

module attributes {stable_mosaic.version = 14 : i64} {
  func.func @_dense2_body(%arg0: i32, %arg1: memref<2x2000x128xf32, #tpu.memory_space<vmem>>, %arg2: memref<2x128x128xf32, #tpu.memory_space<vmem>>, %arg3: memref<2x128x128xf32, #tpu.memory_space<vmem>>, %arg4: memref<1x128xf32, #tpu.memory_space<vmem>>, %arg5: memref<2x2000x128xf32, #tpu.memory_space<vmem>>, %arg6: memref<2000x128xf32, #tpu.memory_space<vmem>>) attributes {dimension_semantics = [#tpu.dimension_semantics<arbitrary>], iteration_bounds = array<i64: 5>, scalar_prefetch = 0 : i64, scratch_operands = 0 : i64, tpu.core_type = #tpu.core_type<tc>, window_params = [{transform_indices = @transform_0, window_bounds = array<i64: 2, 2000, 128>}, {pipeline_mode = #tpu.pipeline_mode<synchronous>, transform_indices = @transform_1, window_bounds = array<i64: 2, 128, 128>}, {pipeline_mode = #tpu.pipeline_mode<synchronous>, transform_indices = @transform_2, window_bounds = array<i64: 2, 128, 128>}, {pipeline_mode = #tpu.pipeline_mode<synchronous>, transform_indices = @transform_3, window_bounds = array<i64: 1, 128>}, {transform_indices = @transform_4, window_bounds = array<i64: 2, 2000, 128>}, {transform_indices = @transform_5, window_bounds = array<i64: 2000, 128>}]} {
    %get3A = arith.constant 0 : index
    %get3A_0 = arith.constant 0 : index
    %get3A_1 = arith.constant 0 : index
    %get3A_2 = vector.load %arg1[%get3A, %get3A_0, %get3A_1] : memref<2x2000x128xf32, #tpu.memory_space<vmem>>, vector<1x2000x128xf32>
    %get3A_3 = vector.shape_cast %get3A_2 : vector<1x2000x128xf32> to vector<2000x128xf32>
    %max3A = arith.constant 0.000000e+00 : f32
    %max3A_4 = vector.broadcast %max3A : f32 to vector<2000x128xf32>
    %max3A_5 = arith.maximumf %get3A_3, %max3A_4 : vector<2000x128xf32>
    %get3A_6 = arith.constant 1 : index
    %get3A_7 = arith.constant 0 : index
    %get3A_8 = arith.constant 0 : index
    %get3A_9 = vector.load %arg1[%get3A_6, %get3A_7, %get3A_8] : memref<2x2000x128xf32, #tpu.memory_space<vmem>>, vector<1x2000x128xf32>
    %get3A_10 = vector.shape_cast %get3A_9 : vector<1x2000x128xf32> to vector<2000x128xf32>
    %max3A_11 = arith.constant 0.000000e+00 : f32
    %max3A_12 = vector.broadcast %max3A_11 : f32 to vector<2000x128xf32>
    %max3A_13 = arith.maximumf %get3A_10, %max3A_12 : vector<2000x128xf32>
    %get3A_14 = arith.constant 0 : index
    %get3A_15 = arith.constant 0 : index
    %get3A_16 = arith.constant 0 : index
    %get3A_17 = vector.load %arg2[%get3A_14, %get3A_15, %get3A_16] : memref<2x128x128xf32, #tpu.memory_space<vmem>>, vector<1x128x128xf32>
    %get3A_18 = vector.shape_cast %get3A_17 : vector<1x128x128xf32> to vector<128x128xf32>
    %dot_general3A = arith.constant dense<0.000000e+00> : vector<2000x128xf32>
    %dot_general3A_19 = tpu.matmul %max3A_5, %get3A_18, %dot_general3A {dimension_numbers = #tpu.dot_dimension_numbers<[1], [0], [0], [1], [0, 0, 1, 1], [], []>, transpose_lhs_hint = false} : vector<2000x128xf32>, vector<128x128xf32>, vector<2000x128xf32> -> vector<2000x128xf32>
    %get3A_20 = arith.constant 1 : index
    %get3A_21 = arith.constant 0 : index
    %get3A_22 = arith.constant 0 : index
    %get3A_23 = vector.load %arg2[%get3A_20, %get3A_21, %get3A_22] : memref<2x128x128xf32, #tpu.memory_space<vmem>>, vector<1x128x128xf32>
    %get3A_24 = vector.shape_cast %get3A_23 : vector<1x128x128xf32> to vector<128x128xf32>
    %dot_general3A_25 = arith.constant dense<0.000000e+00> : vector<2000x128xf32>
    %dot_general3A_26 = tpu.matmul %max3A_13, %get3A_24, %dot_general3A_25 {dimension_numbers = #tpu.dot_dimension_numbers<[1], [0], [0], [1], [0, 0, 1, 1], [], []>, transpose_lhs_hint = false} : vector<2000x128xf32>, vector<128x128xf32>, vector<2000x128xf32> -> vector<2000x128xf32>
    %add3A = arith.addf %dot_general3A_19, %dot_general3A_26 : vector<2000x128xf32>
    %get3A_27 = arith.constant 0 : index
    %get3A_28 = arith.constant 0 : index
    %get3A_29 = vector.load %arg4[%get3A_27, %get3A_28] : memref<1x128xf32, #tpu.memory_space<vmem>>, vector<1x128xf32>
    %add3A_30 = vector.broadcast %get3A_29 : vector<1x128xf32> to vector<2000x128xf32>
    %add3A_31 = arith.addf %add3A, %add3A_30 : vector<2000x128xf32>
    %get3A_32 = arith.constant 0 : index
    %get3A_33 = arith.constant 0 : index
    %get3A_34 = arith.constant 0 : index
    %get3A_35 = vector.load %arg3[%get3A_32, %get3A_33, %get3A_34] : memref<2x128x128xf32, #tpu.memory_space<vmem>>, vector<1x128x128xf32>
    %get3A_36 = vector.shape_cast %get3A_35 : vector<1x128x128xf32> to vector<128x128xf32>
    %dot_general3A_37 = arith.constant dense<0.000000e+00> : vector<2000x128xf32>
    %dot_general3A_38 = tpu.matmul %max3A_5, %get3A_36, %dot_general3A_37 {dimension_numbers = #tpu.dot_dimension_numbers<[1], [0], [0], [1], [0, 0, 1, 1], [], []>, transpose_lhs_hint = false} : vector<2000x128xf32>, vector<128x128xf32>, vector<2000x128xf32> -> vector<2000x128xf32>
    %get3A_39 = arith.constant 1 : index
    %get3A_40 = arith.constant 0 : index
    %get3A_41 = arith.constant 0 : index
    %get3A_42 = vector.load %arg3[%get3A_39, %get3A_40, %get3A_41] : memref<2x128x128xf32, #tpu.memory_space<vmem>>, vector<1x128x128xf32>
    %get3A_43 = vector.shape_cast %get3A_42 : vector<1x128x128xf32> to vector<128x128xf32>
    %dot_general3A_44 = arith.constant dense<0.000000e+00> : vector<2000x128xf32>
    %dot_general3A_45 = tpu.matmul %max3A_13, %get3A_43, %dot_general3A_44 {dimension_numbers = #tpu.dot_dimension_numbers<[1], [0], [0], [1], [0, 0, 1, 1], [], []>, transpose_lhs_hint = false} : vector<2000x128xf32>, vector<128x128xf32>, vector<2000x128xf32> -> vector<2000x128xf32>
    %add3A_46 = arith.addf %dot_general3A_38, %dot_general3A_45 : vector<2000x128xf32>
    %swap3A = arith.constant 0 : index
    %swap3A_47 = arith.constant 0 : index
    %swap3A_48 = arith.constant 0 : index
    %swap3A_49 = vector.load %arg5[%swap3A, %swap3A_47, %swap3A_48] : memref<2x2000x128xf32, #tpu.memory_space<vmem>>, vector<1x2000x128xf32>
    %swap3A_50 = vector.shape_cast %swap3A_49 : vector<1x2000x128xf32> to vector<2000x128xf32>
    %swap3A_51 = vector.shape_cast %add3A_31 : vector<2000x128xf32> to vector<1x2000x128xf32>
    tpu.vector_store %arg5[%swap3A, %swap3A_47, %swap3A_48], %swap3A_51 {strides = array<i32>} : memref<2x2000x128xf32, #tpu.memory_space<vmem>>, vector<1x2000x128xf32>,
    %broadcast_in_dim3A = arith.constant 0.000000e+00 : f32
    %broadcast_in_dim3A_52 = vector.broadcast %broadcast_in_dim3A : f32 to vector<2000x128xf32>
    %swap3A_53 = arith.constant 1 : index
    %swap3A_54 = arith.constant 0 : index
    %swap3A_55 = arith.constant 0 : index
    %swap3A_56 = vector.load %arg5[%swap3A_53, %swap3A_54, %swap3A_55] : memref<2x2000x128xf32, #tpu.memory_space<vmem>>, vector<1x2000x128xf32>
    %swap3A_57 = vector.shape_cast %swap3A_56 : vector<1x2000x128xf32> to vector<2000x128xf32>
    %swap3A_58 = vector.shape_cast %broadcast_in_dim3A_52 : vector<2000x128xf32> to vector<1x2000x128xf32>
    tpu.vector_store %arg5[%swap3A_53, %swap3A_54, %swap3A_55], %swap3A_58 {strides = array<i32>} : memref<2x2000x128xf32, #tpu.memory_space<vmem>>, vector<1x2000x128xf32>,
    %swap3A_59 = arith.constant 0 : index
    %swap3A_60 = arith.constant 0 : index
    %swap3A_61 = vector.load %arg6[%swap3A_59, %swap3A_60] : memref<2000x128xf32, #tpu.memory_space<vmem>>, vector<2000x128xf32>
    tpu.vector_store %arg6[%swap3A_59, %swap3A_60], %add3A_46 {strides = array<i32>} : memref<2000x128xf32, #tpu.memory_space<vmem>>, vector<2000x128xf32>,
    return
  }
  func.func @transform_0(%arg0: i32) -> (i32, i32, i32) {
    %c0_i32 = arith.constant 0 : i32
    %c0_i32_0 = arith.constant 0 : i32
    %c0_i32_1 = arith.constant 0 : i32
    return %c0_i32, %arg0, %c0_i32_0 : i32, i32, i32
  }
  func.func @transform_1(%arg0: i32) -> (i32, i32, i32) {
    %c0_i32 = arith.constant 0 : i32
    %c0_i32_0 = arith.constant 0 : i32
    %c0_i32_1 = arith.constant 0 : i32
    %c0_i32_2 = arith.constant 0 : i32
    return %c0_i32, %c0_i32_0, %c0_i32_1 : i32, i32, i32
  }
  func.func @transform_2(%arg0: i32) -> (i32, i32, i32) {
    %c0_i32 = arith.constant 0 : i32
    %c0_i32_0 = arith.constant 0 : i32
    %c0_i32_1 = arith.constant 0 : i32
    %c0_i32_2 = arith.constant 0 : i32
    return %c0_i32, %c0_i32_0, %c0_i32_1 : i32, i32, i32
  }
  func.func @transform_3(%arg0: i32) -> (i32, i32) {
    %c0_i32 = arith.constant 0 : i32
    %c0_i32_0 = arith.constant 0 : i32
    %c0_i32_1 = arith.constant 0 : i32
    return %c0_i32, %c0_i32_0 : i32, i32
  }
  func.func @transform_4(%arg0: i32) -> (i32, i32, i32) {
    %c0_i32 = arith.constant 0 : i32
    %c0_i32_0 = arith.constant 0 : i32
    %c0_i32_1 = arith.constant 0 : i32
    return %c0_i32, %arg0, %c0_i32_0 : i32, i32, i32
  }
  func.func @transform_5(%arg0: i32) -> (i32, i32) {
    %c0_i32 = arith.constant 0 : i32
    %c0_i32_0 = arith.constant 0 : i32
    return %arg0, %c0_i32 : i32, i32
  }
}

module attributes {stable_mosaic.version = 14 : i64} {
  func.func @_combine_body(%arg0: i32, %arg1: memref<2000x128xf32, #tpu.memory_space<vmem>>, %arg2: memref<2000x128xf32, #tpu.memory_space<vmem>>, %arg3: memref<2000x128xf32, #tpu.memory_space<vmem>>) attributes {dimension_semantics = [#tpu.dimension_semantics<arbitrary>], iteration_bounds = array<i64: 5>, scalar_prefetch = 0 : i64, scratch_operands = 0 : i64, tpu.core_type = #tpu.core_type<tc>, window_params = [{transform_indices = @transform_0, window_bounds = array<i64: 2000, 128>}, {transform_indices = @transform_1, window_bounds = array<i64: 2000, 128>}, {transform_indices = @transform_2, window_bounds = array<i64: 2000, 128>}]} {
    %get3A = arith.constant 0 : index
    %get3A_0 = arith.constant 0 : index
    %get3A_1 = vector.load %arg1[%get3A, %get3A_0] : memref<2000x128xf32, #tpu.memory_space<vmem>>, vector<2000x128xf32>
    %get3A_2 = arith.constant 0 : index
    %get3A_3 = arith.constant 0 : index
    %get3A_4 = vector.load %arg2[%get3A_2, %get3A_3] : memref<2000x128xf32, #tpu.memory_space<vmem>>, vector<2000x128xf32>
    %add3A = arith.addf %get3A_1, %get3A_4 : vector<2000x128xf32>
    %swap3A = arith.constant 0 : index
    %swap3A_5 = arith.constant 0 : index
    %swap3A_6 = vector.load %arg3[%swap3A, %swap3A_5] : memref<2000x128xf32, #tpu.memory_space<vmem>>, vector<2000x128xf32>
    tpu.vector_store %arg3[%swap3A, %swap3A_5], %add3A {strides = array<i32>} : memref<2000x128xf32, #tpu.memory_space<vmem>>, vector<2000x128xf32>,
    return
  }
  func.func @transform_0(%arg0: i32) -> (i32, i32) {
    %c0_i32 = arith.constant 0 : i32
    %c0_i32_0 = arith.constant 0 : i32
    return %arg0, %c0_i32 : i32, i32
  }
  func.func @transform_1(%arg0: i32) -> (i32, i32) {
    %add3A = arith.constant 5 : i32
    %add3A_0 = arith.addi %arg0, %add3A : i32
    %c0_i32 = arith.constant 0 : i32
    %c0_i32_1 = arith.constant 0 : i32
    return %add3A_0, %c0_i32 : i32, i32
  }
  func.func @transform_2(%arg0: i32) -> (i32, i32) {
    %c0_i32 = arith.constant 0 : i32
    %c0_i32_0 = arith.constant 0 : i32
    return %arg0, %c0_i32 : i32, i32
  }
}

</mosaic_0001>

<sc_bundles>
// kernel: kernel.10.cloned.1.call-start
scs
__scs_entry_jumppad:
0x0: {  	(pc) =	sbr.rel $0x88, $3  }
0x1: {  	(tag) =	ssettag $0x0;
	lr =	simm.s32 $0x1  }
0x2: {  	[smem:$0x3F98] =	sst lr;
	_ =	strace $0xD0000000  }
0x3: {  	_ = 	snop  }
0x4: {  	_ = 	snop  }
0x5: {  	_ = 	snop  }
0x6: {  	_ = 	snop  }
0x7: {  	_ = 	snop  }
__scs_overlays_trampoline_lowered:
0x8: {  	[smem:$0x3FA7] =	sst s0  }
0x9: {  	[smem:$0x3FA8] =	sst s1  }
0xa: {  	[smem:$0x3FA9] =	sst s2  }
0xb: {  	[smem:$0x3FAA] =	sst s3  }
0xc: {  	[smem:$0x3FAB] =	sst s4  }
0xd: {  	[smem:$0x3FAC] =	sst s5  }
0xe: {  	[smem:$0x3FAD] =	sst s6  }
0xf: {  	[smem:$0x3FAE] =	sst s7  }
0x10: {  	[smem:$0x3FAF] =	sst s8  }
0x11: {  	[smem:$0x3FB0] =	sst s9;
	s0 =	simm.s32 @!p0 $0x0  }
0x12: {  	s1 =	sld [smem:$0x3F96];
	s0 =	simm.s32 @p0 $0x1  }
0x13: {  	[smem:$0x3FB1] =	sst s0;
	s0 =	simm.s32 @!p1 $0x0  }
0x14: {  	s2 =	sld [smem:$0x3F95];
	s0 =	simm.s32 @p1 $0x1  }
0x15: {  	[smem:$0x3FB2] =	sst s0;
	s0 =	simm.s32 @!p2 $0x0  }
0x16: {  	s3 =	sld [smem:$0x3FDB];
	s0 =	simm.s32 @p2 $0x1  }
0x17: {  	s4 =	simm.s32 $0x1BF5;
	[smem:$0x3FB4] =	sst s0  }
0x18: {  	s0 =	sld [smem:$0x3F97];
	_ =	swait.ge [sflag:s4], $0x0  }
0x19: {  	s7 =	sld [smem:$0x3F98]  }
0x1a: {  	s8 =	sadd.s32 $0xFFFFE003, lr  }
0x1b: {  	s9 =	sadd.s32 $0xFFFFFEF7, lr;
	s5 =	simm.s32 $0xFFFFFFFF;
	p2 =	slt.u32 s8, $0xFFFFF086  }
0x1c: {  	p1 =	slt.u32 s9, $0xF7A;
	s5 =	simm.s32 @!p2 $0x0  }
0x1d: {  	s5 =	simm.s32 @p1 $0x1;
	p0 =	seq.s32 s7, s2  }
0x1e: {  	s7 =	smul.u32 @!p0 $0xF7A, s2;
	p2 =	seq.s32 @!p0 s5, $0x0  }
0x1f: {  	s9 =	smul.u32 $0xF7A, s1;
	s8 =	simm.s32 @!p0 $0x1BF5;
	p2 =	por !p2, p0  }
0x20: {  	[sflag:s8] =	ssyncset.s32 @!p0 $0xFFFFF086;
	s6 =	sadd.s32 @!p0 s3, s7;
	s7 =	simm.s32 @!p0 $0x108  }
0x21: {  	s3 =	sadd.s32 s3, s9;
	s6 =	sadd.s32 @!p0 $0x88, s6;
	s7 =	simm.s32 @p2 $0x1082  }
0x22: {  	[simem:s7], [sflag:s8] =	dma.local @!p0 [hbm:s6], $0xF7A  }
0x23: {  	s9 =	sor.u32 $0xD0000000, s2;
	s6 =	simm.s32 $0x108;
	_ =	swait.ge @!p0 [sflag:s8], $0x0  }
0x24: {  	s3 =	sadd.s32 $0x88, s3;
	s6 =	simm.s32 @!p1 $0x1082;
	[sflag:s4] =	ssyncset.s32 $0xFFFFF086  }
0x25: {  	[simem:s6], [sflag:s4] =	dma.local [hbm:s3], $0xF7A  }
0x26: {  	[smem:$0x3F98] =	sst s1;
	(tag) =	ssettag s2;
	_ =	strace s9  }
0x27: {  	s1 =	sld [smem:$0x3FA8]  }
0x28: {  	s2 =	sld [smem:$0x3FA9]  }
0x29: {  	s4 =	sld [smem:$0x3FAB]  }
0x2a: {  	p0 =	seq.s32 s5, $0x0;
	s5 =	sld [smem:$0x3FAC]  }
0x2b: {  	s6 =	sld [smem:$0x3FAD]  }
0x2c: {  	s7 =	sld [smem:$0x3FAE]  }
0x2d: {  	s3 =	simm.s32 $0x108;
	s8 =	sld [smem:$0x3FAF]  }
0x2e: {  	s3 =	simm.s32 @!p0 $0x1082;
	s9 =	sld [smem:$0x3FB0]  }
0x2f: {  	lr =	sadd.s32 s0, s3;
	s0 =	sld [smem:$0x3FA7]  }
0x30: {  	s3 =	sld [smem:$0x3FAA]  }
0x31: {  	[smem:$0x3FB3] =	sst s10  }
0x32: {  	s10 =	sld [smem:$0x3FB1];
	_ =	sdelay $0x3  }
0x33: {  	p0 =	seq.s32 s10, $0x1;
	s10 =	sld [smem:$0x3FB3];
	_ =	sdelay $0x3  }
0x34: {  	[smem:$0x3FB3] =	sst s10  }
0x35: {  	s10 =	sld [smem:$0x3FB2];
	_ =	sdelay $0x3  }
0x36: {  	p1 =	seq.s32 s10, $0x1;
	s10 =	sld [smem:$0x3FB3];
	_ =	sdelay $0x3  }
0x37: {  	[smem:$0x3FB3] =	sst s10  }
0x38: {  	s10 =	sld [smem:$0x3FB4]  }
0x39: {  	_ = 	snop;
	(pc) =	sbr.ind lr, $3  }
0x3a: {  	_ = 	snop  }
0x3b: {  	_ = 	snop  }
0x3c: {  	p2 =	seq.s32 s10, $0x1;
	s10 =	sld [smem:$0x3FB3]  }
0x3d: {  	_ =	shalt  }
0x3e: {  	_ =	shalt  }
0x3f: {  	_ =	shalt  }
0x40: {  	_ =	shalt  }
0x41: {  	_ =	shalt  }
0x42: {  	_ =	shalt  }
0x43: {  	_ =	shalt  }
0x44: {  	_ =	shalt  }
0x45: {  	_ =	shalt  }
0x46: {  	_ =	shalt  }
0x47: {  	_ =	shalt  }
0x48: {  	_ =	shalt  }
0x49: {  	_ =	shalt  }
0x4a: {  	_ =	shalt  }
0x4b: {  	_ =	shalt  }
0x4c: {  	_ =	shalt  }
0x4d: {  	_ =	shalt  }
0x4e: {  	_ =	shalt  }
0x4f: {  	_ =	shalt  }
0x50: {  	_ =	shalt  }
0x51: {  	_ =	shalt  }
0x52: {  	_ =	shalt  }
0x53: {  	_ =	shalt  }
0x54: {  	_ =	shalt  }
0x55: {  	_ =	shalt  }
0x56: {  	_ =	shalt  }
0x57: {  	_ =	shalt  }
0x58: {  	_ =	shalt  }
0x59: {  	_ =	shalt  }
0x5a: {  	_ =	shalt  }
0x5b: {  	_ =	shalt  }
0x5c: {  	_ =	shalt  }
0x5d: {  	_ =	shalt  }
0x5e: {  	_ =	shalt  }
0x5f: {  	_ =	shalt  }
0x60: {  	_ =	shalt  }
0x61: {  	_ =	shalt  }
0x62: {  	_ =	shalt  }
0x63: {  	_ =	shalt  }
0x64: {  	_ =	shalt  }
0x65: {  	_ =	shalt  }
0x66: {  	_ =	shalt  }
0x67: {  	_ =	shalt  }
0x68: {  	_ =	shalt  }
0x69: {  	_ =	shalt  }
0x6a: {  	_ =	shalt  }
0x6b: {  	_ =	shalt  }
0x6c: {  	_ =	shalt  }
0x6d: {  	_ =	shalt  }
0x6e: {  	_ =	shalt  }
0x6f: {  	_ =	shalt  }
0x70: {  	_ =	shalt  }
0x71: {  	_ =	shalt  }
0x72: {  	_ =	shalt  }
0x73: {  	_ =	shalt  }
0x74: {  	_ =	shalt  }
0x75: {  	_ =	shalt  }
0x76: {  	_ =	shalt  }
0x77: {  	_ =	shalt  }
0x78: {  	_ =	shalt  }
0x79: {  	_ =	shalt  }
0x7a: {  	_ =	shalt  }
0x7b: {  	_ =	shalt  }
0x7c: {  	_ =	shalt  }
0x7d: {  	_ =	shalt  }
0x7e: {  	_ =	shalt  }
0x7f: {  	_ =	shalt  }
0x80: {  	_ =	shalt  }
0x81: {  	_ =	shalt  }
0x82: {  	_ =	shalt  }
0x83: {  	_ =	shalt  }
0x84: {  	_ =	shalt  }
0x85: {  	_ =	shalt  }
0x86: {  	_ =	shalt  }
0x87: {  	_ =	shalt  }
.Lfunc_end0:
.L_simem_size_0:
called_computation.1_lowered:
.L_overlay_start_0:
0x88: {  	s2 =	sld [smem:$0x3FD9]  }
0x89: {  	s3 =	sld [smem:$0x3FFE];
	_ =	sdelay $0x1  }
0x8a: {  	s1 =	srdreg.scid  }
0x8b: {  	s0 =	sand.u32 $0x1, s1  }
0x8c: {  	s17 =	sshll.u32 s0, $0xA;
	s2 =	sadd.s32 s3, s2  }
0x8d: {  	s2 =	sadd.s32 s2, s17  }
0x8e: {  	[smem:$0x3FBF] =	sst s2  }
0x8f: {  	_ = 	snop  }
0x90: {  	s2 =	sld [smem:$0x3FD0];
	(tm) =	ssettm $0x1  }
0x91: {  	s18 =	sld [smem:$0x3FFB];
	_ =	sdelay $0x3  }
0x92: {  	_ =	strace s18  }
0x93: {  	s3 =	sld [smem:$0x3FFC];
	_ =	sdelay $0x3  }
0x94: {  	_ =	strace s3  }
0x95: {  	s3 =	sld [smem:$0x3FFD];
	_ =	sdelay $0x3  }
0x96: {  	_ =	strace s3  }
0x97: {  	_ =	strace $0x8FFFFFFF  }
0x98: {  	s19 =	sld [smem:$0x3FDB];
	_ =	sdelay $0x1  }
0x99: {  	s4 =	simm.s32 $_scs_section_size  }
0x9a: {  	s5 =	simm.s32 $_size__tile_overlayer_lowered;
	s6 =	simm.s32 $_tile_overlayer_lowered  }
0x9b: {  	s22 =	simm.s32 $0x1BFF;
	s21 =	sshll.u32 s6, $0x1;
	s3 =	sadd.s32 s4, s19  }
0x9c: {  	s7 =	simm.s32 $0x0;
	s20 =	sshll.u32 s5, $0x1;
	s5 =	sadd.s32 s21, s3  }
0x9d: {  	[timem:s7], [sflag:s22] =	dma.local [hbm:s5], s20  }
0x9e: {  	_ =	swait.ge [sflag:s22], s20  }
0x9f: {  	s4 =	ssub.s32 $0x0, s20;
	[sflag:s22] =	ssyncset.done $0x0  }
0xa0: {  	[sflag:s22] =	ssyncadd.s32 s4;
	_ =	sdelay $0x1  }
0xa1: {  	s23 =	simm.s32 $0x1B8B  }
0xa2: {  	_ =	swait.ge [sflag:s23], $0x1  }
0xa3: {  	[sflag:s23] =	ssyncset.done $0x0  }
0xa4: {  	s25 =	simm.s32 $0x1B8E;
	s24 =	sld [smem:$0x3FFE];
	[sflag:s23] =	ssyncadd.s32 $0xFFFFFFFF  }
0xa5: {  	s26 =	simm.s32 $execute0_lowered;
	[smem:$0x3FD2] =	sst s25  }
0xa6: {  	s5 =	sshll.u32 s26, $0x1;
	_ =	strace $0x80000049;
	[dreg:$0x1] =	wrdreg $0xFFFFFFFF  }
0xa7: {  	s28 =	simm.s32 $_size_execute0_lowered;
	s3 =	sadd.s32 s3, s5;
	[dreg:$0x0] =	wrdreg $0x0  }
0xa8: {  	s5 =	sshll.u32 s28, $0x1;
	[dreg:$0x2] =	wrdreg s3  }
0xa9: {  	[dreg:$0x3] =	wrdreg s5  }
0xaa: {  	[dreg:$0x4] =	wrdreg $0xC0  }
0xab: {  	_ =	task [dreg:s7], $0x5FFFF  }
0xac: {  	[dreg:$0x1] =	wrdreg $0xFFFFFFFF  }
0xad: {  	[dreg:$0x0] =	wrdreg $0x60  }
0xae: {  	[dreg:$0x2] =	wrdreg s2  }
0xaf: {  	[dreg:$0x3] =	wrdreg s24  }
0xb0: {  	[dreg:$0x4] =	wrdreg $0x3C000  }
0xb1: {  	[dreg:$0x5] =	wrdreg $0x9  }
0xb2: {  	_ =	task.clear_ibuf [dreg:s7], $0x6FFFF;
	_ =	strace $0x90000049  }
0xb3: {  	s29 =	simm.s32 $0x9;
	_ =	strace $0x8000004B  }
0xb4: {  	_ =	swait.ge [sflag:s29], $0x1  }
0xb5: {  	[sflag:s29] =	ssyncadd.s32 $0xFFFFFFFF  }
0xb6: {  	_ =	strace $0x9000004B  }
0xb7: {  	_ =	sfence  }
0xb8: {  	s30 =	sld [smem:$0x0];
	_ =	sdelay $0x2  }
0xb9: {  	s31 =	sshll.u32 s1, $0xD;
	s1 =	sshrl.u32 s1, $0x2  }
0xba: {  	s3 =	sand.u32 $0x4000, s31;
	s1 =	sadd.s32 s1, s30  }
0xbb: {  	s0 =	sor.u32 s3, s0;
	s1 =	sshll.u32 s1, $0x11  }
0xbc: {  	s0 =	sor.u32 s1, s0  }
0xbd: {  	s0 =	sadd.s32 $0x8F2B, s0  }
0xbe: {  	[sflag:s0] =	ssyncadd.remote.s32 $0x1  }
0xbf: {  	_ =	sfence.sel $0xFFFF  }
0xc0: {  	[dreg:$0x0] =	wrdreg $0xFFFFFFFF;
	(pc) =	sbr.abs _section_cstart, $3  }
0xc1: {  	[dreg:$0x1] =	wrdreg $0xFFFFFFFF  }
0xc2: {  	_ =	task.clear_ibuf [dreg:s7], $0x2FFFF;
	_ =	strace $0x9FFFFFFF  }
0xc3: {  	(tm) =	ssettm $0x7FFFFFFF  }
tec
execute0_lowered:
.L_overlay_start_1:
0x0: {  	(tag) =	ssettag $0x1  }
0x1: {  	s0 =	rddreg [dreg:$0x0]  }
0x2: {  	s5 =	rddreg [dreg:$0x1];
	s1 =	srdreg.scid  }
0x3: {  	s3 =	rddreg [dreg:$0x2];
	s2 =	stileid.u32;
	s4 =	simm.s32 $0x0  }
0x4: {  	s17 =	simm.s32 $0x28;
	s18 =	simm.s32 $0x2800;
	s8 =	smul.u32 $0x13B0, s2  }
0x5: {  	s6 =	sand.u32 $0x1, s1;
	s1 =	rddreg [dreg:$0x3];
	s9 =	smul.u32 $0x278, s2  }
0x6: {  	s19 =	simm.s32 $0x0;
	[smem:$0x7FF] =	sst s4;
	s11 =	smul.u32 $0x4F000, s2  }
0x7: {  	s10 =	sadd.s32 $0xC400, s5;
	s15 =	sadd.s32 $0x5A600, s5;
	s7 =	smul.u32 $0x13B00, s6  }
0x8: {  	p0 =	seq.s32 s2, $0xF;
	s28 =	ssub.s32 $0x2, s6;
	s12 =	smul.u32 $0x2710, s6  }
0x9: {  	_ =	strace $0x8000004A;
	s6 =	smul.u32 $0x138800, s6;
	s13 =	sshrl.u32 s28, $0x1  }
0xa: {  	s29 =	sshrl.u32 s11, $0x2;
	s7 =	sadd.s32 s8, s7;
	s13 =	ssub.s32 s28, s13  }
0xb: {  	s30 =	sadd.s32 s9, s12;
	s6 =	sshrl.u32 s6, $0x3;
	s16 =	sadd.s32 s29, s3  }
0xc: {  	s12 =	sadd.s32 $0x128400, s3;
	s7 =	sshrl.u32 s7, $0x3;
	s9 =	sshll.u32 s30, $0x4  }
0xd: {  	s31 =	sadd.s32 $0x25080, s6;
	s11 =	smax.u32 s13, $0x1;
	s12 =	sshrl.u32 @p0 s12, $0x3  }
0xe: {  	s14 =	sadd.s32 s7, s5;
	s5 =	sadd.s32 s10, s9;
	s6 =	sadd.s32 s10, s31  }
0xf: {  	s9 =	sadd.s32 s15, s9;
	s10 =	sadd.s32 s15, s31;
	s15 =	simm.s32 $0x1  }
0x10: {  	s7 =	sadd.s32 $0x2400, s14;
	s8 =	sadd.s32 $0x7400, s14;
	s14 =	sshll.u32 @!p0 s2, $0x6  }
0x11: {  	s13 =	sor.u32 @!p0 $0x1C01, s14;
	s14 =	sshrl.u32 @!p0 s16, $0x3;
	s16 =	simm.s32 $0x1400  }
.LBB2_1:
0x12: {  	s20 =	simm.s32 @p0 $0x1FC1  }
0x13: {  	[spmem:s12], [sflag:s20] =	dma.local @p0 [hbm:s6], $0x2080  }
0x14: {  	s20 =	simm.s32 @p0 $0x1  }
0x15: {  	_ =	swait.ge @p0 [sflag:s20], $0x2080  }
0x16: {  	[sflag:s20] =	ssyncset.done @p0 $0x0  }
0x17: {  	[sflag:s20] =	ssyncadd.s32 @p0 $0xFFFFDF80;
	s20 =	simm.s32 @!p0 $0x1  }
0x18: {  	[spmem:s14], [sflag:s13] =	dma.local @!p0 [hbm:s5], $0x2780  }
0x19: {  	_ =	swait.ge @!p0 [sflag:s20], $0x2780  }
0x1a: {  	[sflag:s20] =	ssyncset.done @!p0 $0x0  }
0x1b: {  	[sflag:s20] =	ssyncadd.s32 @!p0 $0xFFFFD880  }
0x1c: {  	[bflag:$0x0] =	sbarrier.arrive $0xFFFF  }
0x1d: {  	[tilespmem:s4], [sflag:$0x1] =	stream.linear.gather [hbm4b:s7+s4], $0x13B0, $0x38;
	[tilespmem:$0x17500] =	vst v63  }
0x1e: {  	_ =	swait.ge [sflag:s15], $0x13B0  }
0x1f: {  	[sflag:s15] =	ssyncset.done $0x0  }
0x20: {  	[sflag:s15] =	ssyncadd.s32 $0xFFFFEC50  }
0x21: {  	[tilespmem:s16], [sflag:$0x1] =	stream.linear.gather [hbm4b:s8+s4], $0x13B0, $0x38;
	[tilespmem:$0x17500] =	vst v63  }
0x22: {  	_ =	swait.ge [sflag:s15], $0x13B0  }
0x23: {  	[sflag:s15] =	ssyncset.done $0x0  }
0x24: {  	s30 =	simm.s32 $0x0;
	[sflag:s15] =	ssyncadd.s32 $0xFFFFEC50  }
0x25: {  	[tilespmem:s18], [sflag:$0x1] =	stream.indirect.gather [hbm4b:s0+s17], $0x80, s30, s17, $0xb8;
	[tilespmem:$0x17500] =	vst v63  }
0x26: {  	_ =	swait.ge [sflag:s15], $0x1400  }
0x27: {  	[sflag:s15] =	ssyncset.done $0x0  }
0x28: {  	s31 =	simm.s32 $0x1400;
	[sflag:s15] =	ssyncadd.s32 $0xFFFFEC00  }
0x29: {  	[spmem:s3] =	stream.indirect.scatter.add.f32 [tilespmem:s18], [sflag:$0x1], $0x80, s31, s17, $0xb8;
	[tilespmem:$0x17500] =	vst v63  }
0x2a: {  	_ =	swait.ge [sflag:s15], $0x1400  }
0x2b: {  	s21 =	simm.s32 $0x140;
	s20 =	simm.s32 $0xA0;
	[sflag:s15] =	ssyncset.done $0x0  }
.LBB2_2:
0x2c: {  	s22 =	sshra.s32 s20, $0x2  }
0x2d: {  	[sflag:s15] =	ssyncadd.s32 $0xFFFFEC00;
	s20 =	smov.u32 s21;
	s23 =	sadd.s32 $0xA0, s21  }
0x2e: {  	[tilespmem:s18], [sflag:$0x1] =	stream.indirect.gather [hbm4b:s0+s17], $0x80, s22, s17, $0xb8;
	[tilespmem:$0x17500] =	vst v63  }
0x2f: {  	p1 =	sne.s32 s21, $0x4E20;
	_ =	swait.ge [sflag:s15], $0x1400  }
.Ltmp0:
0x30: {  	[sflag:s15] =	ssyncset.done $0x0;
	(pc) =	sbr.rel @p1 .LBB2_2-.Ltmp0, $4  }
0x31: {  	s21 =	sadd.s32 $0x1400, s22;
	[sflag:s15] =	ssyncadd.s32 $0xFFFFEC00  }
0x32: {  	[spmem:s3] =	stream.indirect.scatter.add.f32 [tilespmem:s18], [sflag:$0x1], $0x80, s21, s17, $0xb8;
	[tilespmem:$0x17500] =	vst v63  }
0x33: {  	_ =	swait.ge [sflag:s15], $0x1400  }
0x34: {  	s21 =	smov.u32 s23;
	[sflag:s15] =	ssyncset.done $0x0  }
0x35: {  	s20 =	sshra.s32 s20, $0x2;
	[sflag:s15] =	ssyncadd.s32 $0xFFFFEC00  }
0x36: {  	[tilespmem:s18], [sflag:$0x1] =	stream.indirect.gather [hbm4b:s0+s17], $0x80, s20, s17, $0xb8;
	[tilespmem:$0x17500] =	vst v63  }
0x37: {  	_ =	swait.ge [sflag:s15], $0x1400  }
0x38: {  	[sflag:s15] =	ssyncset.done $0x0  }
0x39: {  	s20 =	sadd.s32 $0x1400, s20;
	[sflag:s15] =	ssyncadd.s32 $0xFFFFEC00  }
0x3a: {  	[spmem:s3] =	stream.indirect.scatter.add.f32 [tilespmem:s18], [sflag:$0x1], $0x80, s20, s17, $0xb8;
	[tilespmem:$0x17500] =	vst v63  }
0x3b: {  	_ =	swait.ge [sflag:s15], $0x1400  }
0x3c: {  	[sflag:s15] =	ssyncset.done $0x0  }
0x3d: {  	[sflag:s15] =	ssyncadd.s32 $0xFFFFEC00  }
0x3e: {  	s20 =	simm.s32 @p0 $0x1FC1;
	[bflag:$0x0] =	sbarrier.arrive $0xFFFF  }
0x3f: {  	[hbm:s10], [sflag:s20] =	dma.local @p0 [spmem:s12], $0x2080  }
0x40: {  	s20 =	simm.s32 @p0 $0x1  }
0x41: {  	s19 =	sadd.s32 $0x1, s19;
	_ =	swait.ge @p0 [sflag:s20], $0x2080  }
0x42: {  	p1 =	sne.s32 s19, s11;
	[sflag:s20] =	ssyncset.done @p0 $0x0  }
.Ltmp1:
0x43: {  	[sflag:s20] =	ssyncadd.s32 @p0 $0xFFFFDF80;
	s20 =	simm.s32 @!p0 $0x1;
	(pc) =	sbr.rel @p1 .LBB2_1-.Ltmp1, $4  }
0x44: {  	[hbm:s9], [sflag:s13] =	dma.local @!p0 [spmem:s14], $0x2780  }
0x45: {  	_ =	swait.ge @!p0 [sflag:s20], $0x2780  }
0x46: {  	[sflag:s20] =	ssyncset.done @!p0 $0x0  }
0x47: {  	[sflag:s20] =	ssyncadd.s32 @!p0 $0xFFFFD880  }
0x48: {  	_ =	sfence.sel $0x180000  }
0x49: {  	[bflag:$0x0] =	sbarrier.arrive $0xFFFF  }
0x4a: {  	p0 =	sne.s32 s2, $0x0;
	_ =	strace $0x9000004A  }
0x4b: {  	s0 =	sadd.s32 @!p0 $0x100000, s1;
	[bflag:$0x2] =	sbarrier.arrive $0xFFFF  }
0x4c: {  	[sflag:s0] =	ssyncadd.tile.s32 @!p0 $0x1;
	_ =	shalt  }
.Lfunc_end2:
_tile_overlayer_lowered:
.L_overlay_start_2:
0x4d: {  	(tag) =	ssettag $0x2  }
0x4e: {  	s0 =	rddreg [dreg:$0x0];
	s2 =	stileid.u32  }
0x4f: {  	s1 =	rddreg [dreg:$0x1];
	p0 =	sne.s32 s2, $0x0  }
0x50: {  	s3 =	rddreg [dreg:$0x2];
	[bflag:$0x3] =	sbarrier.arrive $0xFFFF;
	s2 =	simm.s32 @!p0 $0x1C01  }
0x51: {  	[timem:s3], [sflag:s2] =	dma.local @!p0 [hbm:s0], s1  }
0x52: {  	s0 =	simm.s32 @!p0 $0x1  }
0x53: {  	_ =	swait.ge @!p0 [sflag:s0], s1  }
0x54: {  	s1 =	ssub.s32 @!p0 $0x0, s1;
	[sflag:s0] =	ssyncset.done @!p0 $0x0  }
0x55: {  	[sflag:s0] =	ssyncadd.s32 @!p0 s1  }
0x56: {  	[bflag:$0x3] =	sbarrier.arrive $0xFFFF  }
0x57: {  	_ =	shalt  }

// kernel: kernel.7.cloned.1.call-start
scs
__scs_entry_jumppad:
0x0: {  	(pc) =	sbr.rel $0x88, $3  }
0x1: {  	(tag) =	ssettag $0x0;
	lr =	simm.s32 $0x1  }
0x2: {  	[smem:$0x3F98] =	sst lr;
	_ =	strace $0xD0000000  }
0x3: {  	_ = 	snop  }
0x4: {  	_ = 	snop  }
0x5: {  	_ = 	snop  }
0x6: {  	_ = 	snop  }
0x7: {  	_ = 	snop  }
__scs_overlays_trampoline_lowered:
0x8: {  	[smem:$0x3FA7] =	sst s0  }
0x9: {  	[smem:$0x3FA8] =	sst s1  }
0xa: {  	[smem:$0x3FA9] =	sst s2  }
0xb: {  	[smem:$0x3FAA] =	sst s3  }
0xc: {  	[smem:$0x3FAB] =	sst s4  }
0xd: {  	[smem:$0x3FAC] =	sst s5  }
0xe: {  	[smem:$0x3FAD] =	sst s6  }
0xf: {  	[smem:$0x3FAE] =	sst s7  }
0x10: {  	[smem:$0x3FAF] =	sst s8  }
0x11: {  	[smem:$0x3FB0] =	sst s9;
	s0 =	simm.s32 @!p0 $0x0  }
0x12: {  	s1 =	sld [smem:$0x3F96];
	s0 =	simm.s32 @p0 $0x1  }
0x13: {  	[smem:$0x3FB1] =	sst s0;
	s0 =	simm.s32 @!p1 $0x0  }
0x14: {  	s2 =	sld [smem:$0x3F95];
	s0 =	simm.s32 @p1 $0x1  }
0x15: {  	[smem:$0x3FB2] =	sst s0;
	s0 =	simm.s32 @!p2 $0x0  }
0x16: {  	s3 =	sld [smem:$0x3FDB];
	s0 =	simm.s32 @p2 $0x1  }
0x17: {  	s4 =	simm.s32 $0x1BF5;
	[smem:$0x3FB4] =	sst s0  }
0x18: {  	s0 =	sld [smem:$0x3F97];
	_ =	swait.ge [sflag:s4], $0x0  }
0x19: {  	s7 =	sld [smem:$0x3F98]  }
0x1a: {  	s8 =	sadd.s32 $0xFFFFE003, lr  }
0x1b: {  	s9 =	sadd.s32 $0xFFFFFEF7, lr;
	s5 =	simm.s32 $0xFFFFFFFF;
	p2 =	slt.u32 s8, $0xFFFFF086  }
0x1c: {  	p1 =	slt.u32 s9, $0xF7A;
	s5 =	simm.s32 @!p2 $0x0  }
0x1d: {  	s5 =	simm.s32 @p1 $0x1;
	p0 =	seq.s32 s7, s2  }
0x1e: {  	s7 =	smul.u32 @!p0 $0xF7A, s2;
	p2 =	seq.s32 @!p0 s5, $0x0  }
0x1f: {  	s9 =	smul.u32 $0xF7A, s1;
	s8 =	simm.s32 @!p0 $0x1BF5;
	p2 =	por !p2, p0  }
0x20: {  	[sflag:s8] =	ssyncset.s32 @!p0 $0xFFFFF086;
	s6 =	sadd.s32 @!p0 s3, s7;
	s7 =	simm.s32 @!p0 $0x108  }
0x21: {  	s3 =	sadd.s32 s3, s9;
	s6 =	sadd.s32 @!p0 $0x88, s6;
	s7 =	simm.s32 @p2 $0x1082  }
0x22: {  	[simem:s7], [sflag:s8] =	dma.local @!p0 [hbm:s6], $0xF7A  }
0x23: {  	s9 =	sor.u32 $0xD0000000, s2;
	s6 =	simm.s32 $0x108;
	_ =	swait.ge @!p0 [sflag:s8], $0x0  }
0x24: {  	s3 =	sadd.s32 $0x88, s3;
	s6 =	simm.s32 @!p1 $0x1082;
	[sflag:s4] =	ssyncset.s32 $0xFFFFF086  }
0x25: {  	[simem:s6], [sflag:s4] =	dma.local [hbm:s3], $0xF7A  }
0x26: {  	[smem:$0x3F98] =	sst s1;
	(tag) =	ssettag s2;
	_ =	strace s9  }
0x27: {  	s1 =	sld [smem:$0x3FA8]  }
0x28: {  	s2 =	sld [smem:$0x3FA9]  }
0x29: {  	s4 =	sld [smem:$0x3FAB]  }
0x2a: {  	p0 =	seq.s32 s5, $0x0;
	s5 =	sld [smem:$0x3FAC]  }
0x2b: {  	s6 =	sld [smem:$0x3FAD]  }
0x2c: {  	s7 =	sld [smem:$0x3FAE]  }
0x2d: {  	s3 =	simm.s32 $0x108;
	s8 =	sld [smem:$0x3FAF]  }
0x2e: {  	s3 =	simm.s32 @!p0 $0x1082;
	s9 =	sld [smem:$0x3FB0]  }
0x2f: {  	lr =	sadd.s32 s0, s3;
	s0 =	sld [smem:$0x3FA7]  }
0x30: {  	s3 =	sld [smem:$0x3FAA]  }
0x31: {  	[smem:$0x3FB3] =	sst s10  }
0x32: {  	s10 =	sld [smem:$0x3FB1];
	_ =	sdelay $0x3  }
0x33: {  	p0 =	seq.s32 s10, $0x1;
	s10 =	sld [smem:$0x3FB3];
	_ =	sdelay $0x3  }
0x34: {  	[smem:$0x3FB3] =	sst s10  }
0x35: {  	s10 =	sld [smem:$0x3FB2];
	_ =	sdelay $0x3  }
0x36: {  	p1 =	seq.s32 s10, $0x1;
	s10 =	sld [smem:$0x3FB3];
	_ =	sdelay $0x3  }
0x37: {  	[smem:$0x3FB3] =	sst s10  }
0x38: {  	s10 =	sld [smem:$0x3FB4]  }
0x39: {  	_ = 	snop;
	(pc) =	sbr.ind lr, $3  }
0x3a: {  	_ = 	snop  }
0x3b: {  	_ = 	snop  }
0x3c: {  	p2 =	seq.s32 s10, $0x1;
	s10 =	sld [smem:$0x3FB3]  }
0x3d: {  	_ =	shalt  }
0x3e: {  	_ =	shalt  }
0x3f: {  	_ =	shalt  }
0x40: {  	_ =	shalt  }
0x41: {  	_ =	shalt  }
0x42: {  	_ =	shalt  }
0x43: {  	_ =	shalt  }
0x44: {  	_ =	shalt  }
0x45: {  	_ =	shalt  }
0x46: {  	_ =	shalt  }
0x47: {  	_ =	shalt  }
0x48: {  	_ =	shalt  }
0x49: {  	_ =	shalt  }
0x4a: {  	_ =	shalt  }
0x4b: {  	_ =	shalt  }
0x4c: {  	_ =	shalt  }
0x4d: {  	_ =	shalt  }
0x4e: {  	_ =	shalt  }
0x4f: {  	_ =	shalt  }
0x50: {  	_ =	shalt  }
0x51: {  	_ =	shalt  }
0x52: {  	_ =	shalt  }
0x53: {  	_ =	shalt  }
0x54: {  	_ =	shalt  }
0x55: {  	_ =	shalt  }
0x56: {  	_ =	shalt  }
0x57: {  	_ =	shalt  }
0x58: {  	_ =	shalt  }
0x59: {  	_ =	shalt  }
0x5a: {  	_ =	shalt  }
0x5b: {  	_ =	shalt  }
0x5c: {  	_ =	shalt  }
0x5d: {  	_ =	shalt  }
0x5e: {  	_ =	shalt  }
0x5f: {  	_ =	shalt  }
0x60: {  	_ =	shalt  }
0x61: {  	_ =	shalt  }
0x62: {  	_ =	shalt  }
0x63: {  	_ =	shalt  }
0x64: {  	_ =	shalt  }
0x65: {  	_ =	shalt  }
0x66: {  	_ =	shalt  }
0x67: {  	_ =	shalt  }
0x68: {  	_ =	shalt  }
0x69: {  	_ =	shalt  }
0x6a: {  	_ =	shalt  }
0x6b: {  	_ =	shalt  }
0x6c: {  	_ =	shalt  }
0x6d: {  	_ =	shalt  }
0x6e: {  	_ =	shalt  }
0x6f: {  	_ =	shalt  }
0x70: {  	_ =	shalt  }
0x71: {  	_ =	shalt  }
0x72: {  	_ =	shalt  }
0x73: {  	_ =	shalt  }
0x74: {  	_ =	shalt  }
0x75: {  	_ =	shalt  }
0x76: {  	_ =	shalt  }
0x77: {  	_ =	shalt  }
0x78: {  	_ =	shalt  }
0x79: {  	_ =	shalt  }
0x7a: {  	_ =	shalt  }
0x7b: {  	_ =	shalt  }
0x7c: {  	_ =	shalt  }
0x7d: {  	_ =	shalt  }
0x7e: {  	_ =	shalt  }
0x7f: {  	_ =	shalt  }
0x80: {  	_ =	shalt  }
0x81: {  	_ =	shalt  }
0x82: {  	_ =	shalt  }
0x83: {  	_ =	shalt  }
0x84: {  	_ =	shalt  }
0x85: {  	_ =	shalt  }
0x86: {  	_ =	shalt  }
0x87: {  	_ =	shalt  }
.Lfunc_end0:
.L_simem_size_0:
called_computation_lowered:
.L_overlay_start_0:
0x88: {  	s2 =	sld [smem:$0x3FD9]  }
0x89: {  	s3 =	sld [smem:$0x3FFE];
	_ =	sdelay $0x1  }
0x8a: {  	s1 =	srdreg.scid  }
0x8b: {  	s0 =	sand.u32 $0x1, s1  }
0x8c: {  	s17 =	sshll.u32 s0, $0xA;
	s2 =	sadd.s32 s3, s2  }
0x8d: {  	s2 =	sadd.s32 s2, s17  }
0x8e: {  	[smem:$0x3FBF] =	sst s2  }
0x8f: {  	_ = 	snop  }
0x90: {  	s2 =	sld [smem:$0x3FD0];
	(tm) =	ssettm $0x1  }
0x91: {  	s18 =	sld [smem:$0x3FFB];
	_ =	sdelay $0x3  }
0x92: {  	_ =	strace s18  }
0x93: {  	s3 =	sld [smem:$0x3FFC];
	_ =	sdelay $0x3  }
0x94: {  	_ =	strace s3  }
0x95: {  	s3 =	sld [smem:$0x3FFD];
	_ =	sdelay $0x3  }
0x96: {  	_ =	strace s3  }
0x97: {  	_ =	strace $0x8FFFFFFF  }
0x98: {  	s19 =	sld [smem:$0x3FDB];
	_ =	sdelay $0x1  }
0x99: {  	s4 =	simm.s32 $_scs_section_size  }
0x9a: {  	s5 =	simm.s32 $_size__tile_overlayer_lowered;
	s6 =	simm.s32 $_tile_overlayer_lowered  }
0x9b: {  	s22 =	simm.s32 $0x1BFF;
	s21 =	sshll.u32 s6, $0x1;
	s3 =	sadd.s32 s4, s19  }
0x9c: {  	s7 =	simm.s32 $0x0;
	s20 =	sshll.u32 s5, $0x1;
	s5 =	sadd.s32 s21, s3  }
0x9d: {  	[timem:s7], [sflag:s22] =	dma.local [hbm:s5], s20  }
0x9e: {  	_ =	swait.ge [sflag:s22], s20  }
0x9f: {  	s4 =	ssub.s32 $0x0, s20;
	[sflag:s22] =	ssyncset.done $0x0  }
0xa0: {  	[sflag:s22] =	ssyncadd.s32 s4;
	_ =	sdelay $0x1  }
0xa1: {  	s23 =	simm.s32 $0x1B8B  }
0xa2: {  	_ =	swait.ge [sflag:s23], $0x1  }
0xa3: {  	[sflag:s23] =	ssyncset.done $0x0  }
0xa4: {  	s25 =	simm.s32 $0x1B8E;
	s24 =	sld [smem:$0x3FFE];
	[sflag:s23] =	ssyncadd.s32 $0xFFFFFFFF  }
0xa5: {  	s26 =	simm.s32 $execute0_lowered;
	[smem:$0x3FD2] =	sst s25  }
0xa6: {  	s5 =	sshll.u32 s26, $0x1;
	_ =	strace $0x80000046;
	[dreg:$0x1] =	wrdreg $0xFFFFFFFF  }
0xa7: {  	s28 =	simm.s32 $_size_execute0_lowered;
	s3 =	sadd.s32 s3, s5;
	[dreg:$0x0] =	wrdreg $0x0  }
0xa8: {  	s5 =	sshll.u32 s28, $0x1;
	[dreg:$0x2] =	wrdreg s3  }
0xa9: {  	[dreg:$0x3] =	wrdreg s5  }
0xaa: {  	[dreg:$0x4] =	wrdreg $0xC0  }
0xab: {  	_ =	task [dreg:s7], $0x5FFFF  }
0xac: {  	[dreg:$0x1] =	wrdreg $0xFFFFFFFF  }
0xad: {  	[dreg:$0x0] =	wrdreg $0x60  }
0xae: {  	[dreg:$0x2] =	wrdreg s24  }
0xaf: {  	[dreg:$0x3] =	wrdreg s2  }
0xb0: {  	[dreg:$0x4] =	wrdreg $0x77000  }
0xb1: {  	[dreg:$0x5] =	wrdreg $0x9  }
0xb2: {  	_ =	task.clear_ibuf [dreg:s7], $0x6FFFF;
	_ =	strace $0x90000046  }
0xb3: {  	s29 =	simm.s32 $0x9;
	_ =	strace $0x80000048  }
0xb4: {  	_ =	swait.ge [sflag:s29], $0x1  }
0xb5: {  	[sflag:s29] =	ssyncadd.s32 $0xFFFFFFFF  }
0xb6: {  	_ =	strace $0x90000048  }
0xb7: {  	_ =	sfence  }
0xb8: {  	s30 =	sld [smem:$0x0];
	_ =	sdelay $0x2  }
0xb9: {  	s31 =	sshll.u32 s1, $0xD;
	s1 =	sshrl.u32 s1, $0x2  }
0xba: {  	s3 =	sand.u32 $0x4000, s31;
	s1 =	sadd.s32 s1, s30  }
0xbb: {  	s0 =	sor.u32 s3, s0;
	s1 =	sshll.u32 s1, $0x11  }
0xbc: {  	s0 =	sor.u32 s1, s0  }
0xbd: {  	s0 =	sadd.s32 $0x8F2B, s0  }
0xbe: {  	[sflag:s0] =	ssyncadd.remote.s32 $0x1  }
0xbf: {  	_ =	sfence.sel $0xFFFF  }
0xc0: {  	[dreg:$0x0] =	wrdreg $0xFFFFFFFF;
	(pc) =	sbr.abs _section_cstart, $3  }
0xc1: {  	[dreg:$0x1] =	wrdreg $0xFFFFFFFF  }
0xc2: {  	_ =	task.clear_ibuf [dreg:s7], $0x2FFFF;
	_ =	strace $0x9FFFFFFF  }
0xc3: {  	(tm) =	ssettm $0x7FFFFFFF  }
tec
execute0_lowered:
.L_overlay_start_1:
0x0: {  	(tag) =	ssettag $0x1  }
0x1: {  	s5 =	rddreg [dreg:$0x0]  }
0x2: {  	s7 =	rddreg [dreg:$0x1]  }
0x3: {  	s1 =	rddreg [dreg:$0x2]  }
0x4: {  	s0 =	rddreg [dreg:$0x3];
	s3 =	simm.s32 $0x0  }
0x5: {  	s2 =	stileid.u32;
	s8 =	srdreg.scid;
	s17 =	simm.s32 $0x50  }
0x6: {  	s18 =	simm.s32 $0x4F00;
	s19 =	simm.s32 $0x0;
	s6 =	smul.u32 $0x2760, s2  }
0x7: {  	[smem:$0x7FF] =	sst s3;
	s4 =	sadd.s32 $0xC400, s5;
	s10 =	smul.u32 $0x278, s2  }
0x8: {  	s9 =	sadd.s32 $0x5A600, s5;
	s8 =	sand.u32 $0x1, s8;
	s13 =	smul.u32 $0x4F000, s2  }
0x9: {  	s16 =	sadd.s32 $0xA8800, s5;
	p0 =	seq.s32 s2, $0xF;
	s15 =	smul.u32 $0x2710, s8  }
0xa: {  	_ =	strace $0x80000047;
	s12 =	ssub.s32 $0x2, s8;
	s30 =	smul.u32 $0x138800, s8  }
0xb: {  	s8 =	smul.u32 $0x27600, s8;
	s11 =	sshrl.u32 s6, $0x3;
	s14 =	sshrl.u32 s12, $0x1  }
0xc: {  	s13 =	sshrl.u32 s13, $0x2;
	s11 =	sadd.s32 s11, s5;
	s12 =	ssub.s32 s12, s14  }
0xd: {  	s10 =	sadd.s32 s10, s15;
	s14 =	sadd.s32 s13, s1;
	s31 =	sshrl.u32 s30, $0x3  }
0xe: {  	s8 =	sadd.s32 s6, s8;
	s15 =	sadd.s32 $0x128400, s1;
	s10 =	sshll.u32 s10, $0x4  }
0xf: {  	s13 =	sadd.s32 $0x25080, s31;
	s8 =	sshrl.u32 s8, $0x3;
	s14 =	sshrl.u32 @!p0 s14, $0x3  }
0x10: {  	s5 =	sadd.s32 s9, s10;
	s6 =	sadd.s32 s9, s13;
	s7 =	sadd.s32 s7, s8  }
0x11: {  	s8 =	sadd.s32 $0x7400, s11;
	s9 =	sadd.s32 s16, s10;
	s10 =	sadd.s32 s16, s13  }
0x12: {  	s13 =	sshll.u32 @!p0 s2, $0x6;
	s11 =	smax.u32 s12, $0x1;
	s12 =	sshrl.u32 @p0 s15, $0x3  }
0x13: {  	s15 =	simm.s32 $0x1;
	s16 =	simm.s32 $0x2780;
	s13 =	sor.u32 @!p0 $0x1C01, s13  }
.LBB2_1:
0x14: {  	s20 =	simm.s32 @p0 $0x1FC1  }
0x15: {  	[spmem:s12], [sflag:s20] =	dma.local @p0 [hbm:s6], $0x2080  }
0x16: {  	s20 =	simm.s32 @p0 $0x1  }
0x17: {  	_ =	swait.ge @p0 [sflag:s20], $0x2080  }
0x18: {  	[sflag:s20] =	ssyncset.done @p0 $0x0  }
0x19: {  	[sflag:s20] =	ssyncadd.s32 @p0 $0xFFFFDF80;
	s20 =	simm.s32 @!p0 $0x1  }
0x1a: {  	[spmem:s14], [sflag:s13] =	dma.local @!p0 [hbm:s5], $0x2780  }
0x1b: {  	_ =	swait.ge @!p0 [sflag:s20], $0x2780  }
0x1c: {  	[sflag:s20] =	ssyncset.done @!p0 $0x0  }
0x1d: {  	[sflag:s20] =	ssyncadd.s32 @!p0 $0xFFFFD880  }
0x1e: {  	[bflag:$0x0] =	sbarrier.arrive $0xFFFF  }
0x1f: {  	[tilespmem:s3], [sflag:$0x1] =	stream.linear.gather [hbm4b:s7+s3], $0x2760, $0x38;
	[tilespmem:$0x1B000] =	vst v63  }
0x20: {  	_ =	swait.ge [sflag:s15], $0x2760  }
0x21: {  	[sflag:s15] =	ssyncset.done $0x0  }
0x22: {  	[sflag:s15] =	ssyncadd.s32 $0xFFFFD8A0  }
0x23: {  	[tilespmem:s16], [sflag:$0x1] =	stream.linear.gather [hbm4b:s8+s3], $0x2760, $0x38;
	[tilespmem:$0x1B000] =	vst v63  }
0x24: {  	_ =	swait.ge [sflag:s15], $0x2760  }
0x25: {  	[sflag:s15] =	ssyncset.done $0x0  }
0x26: {  	s30 =	simm.s32 $0x0;
	[sflag:s15] =	ssyncadd.s32 $0xFFFFD8A0  }
0x27: {  	[tilespmem:s18], [sflag:$0x1] =	stream.indirect.gather [hbm4b:s4+s17], $0x80, s30, s17, $0xb8;
	[tilespmem:$0x1B000] =	vst v63  }
0x28: {  	_ =	swait.ge [sflag:s15], $0x2800  }
0x29: {  	[sflag:s15] =	ssyncset.done $0x0  }
0x2a: {  	s31 =	simm.s32 $0x2780;
	[sflag:s15] =	ssyncadd.s32 $0xFFFFD800  }
0x2b: {  	[spmem:s1] =	stream.indirect.scatter.add.f32 [tilespmem:s18], [sflag:$0x1], $0x80, s31, s17, $0xb8;
	[tilespmem:$0x1B000] =	vst v63  }
0x2c: {  	_ =	swait.ge [sflag:s15], $0x2800  }
0x2d: {  	s21 =	simm.s32 $0x280;
	s20 =	simm.s32 $0x140;
	[sflag:s15] =	ssyncset.done $0x0  }
.LBB2_2:
0x2e: {  	s22 =	sshra.s32 s20, $0x2  }
0x2f: {  	[sflag:s15] =	ssyncadd.s32 $0xFFFFD800;
	s20 =	smov.u32 s21;
	s23 =	sadd.s32 $0x140, s21  }
0x30: {  	[tilespmem:s18], [sflag:$0x1] =	stream.indirect.gather [hbm4b:s4+s17], $0x80, s22, s17, $0xb8;
	[tilespmem:$0x1B000] =	vst v63  }
0x31: {  	p1 =	sne.s32 s21, $0x9C40;
	_ =	swait.ge [sflag:s15], $0x2800  }
.Ltmp0:
0x32: {  	[sflag:s15] =	ssyncset.done $0x0;
	(pc) =	sbr.rel @p1 .LBB2_2-.Ltmp0, $4  }
0x33: {  	s21 =	sadd.s32 $0x2780, s22;
	[sflag:s15] =	ssyncadd.s32 $0xFFFFD800  }
0x34: {  	[spmem:s1] =	stream.indirect.scatter.add.f32 [tilespmem:s18], [sflag:$0x1], $0x80, s21, s17, $0xb8;
	[tilespmem:$0x1B000] =	vst v63  }
0x35: {  	_ =	swait.ge [sflag:s15], $0x2800  }
0x36: {  	s21 =	smov.u32 s23;
	[sflag:s15] =	ssyncset.done $0x0  }
0x37: {  	s20 =	sshra.s32 s20, $0x2;
	[sflag:s15] =	ssyncadd.s32 $0xFFFFD800  }
0x38: {  	[tilespmem:s18], [sflag:$0x1] =	stream.indirect.gather [hbm4b:s4+s17], $0x80, s20, s17, $0xb8;
	[tilespmem:$0x1B000] =	vst v63  }
0x39: {  	_ =	swait.ge [sflag:s15], $0x2800  }
0x3a: {  	[sflag:s15] =	ssyncset.done $0x0  }
0x3b: {  	s20 =	sadd.s32 $0x2780, s20;
	[sflag:s15] =	ssyncadd.s32 $0xFFFFD800  }
0x3c: {  	[spmem:s1] =	stream.indirect.scatter.add.f32 [tilespmem:s18], [sflag:$0x1], $0x80, s20, s17, $0xb8;
	[tilespmem:$0x1B000] =	vst v63  }
0x3d: {  	_ =	swait.ge [sflag:s15], $0x2800  }
0x3e: {  	[sflag:s15] =	ssyncset.done $0x0  }
0x3f: {  	[sflag:s15] =	ssyncadd.s32 $0xFFFFD800  }
0x40: {  	s20 =	simm.s32 @p0 $0x1FC1;
	[bflag:$0x0] =	sbarrier.arrive $0xFFFF  }
0x41: {  	[hbm:s10], [sflag:s20] =	dma.local @p0 [spmem:s12], $0x2080  }
0x42: {  	s20 =	simm.s32 @p0 $0x1  }
0x43: {  	s19 =	sadd.s32 $0x1, s19;
	_ =	swait.ge @p0 [sflag:s20], $0x2080  }
0x44: {  	p1 =	sne.s32 s19, s11;
	[sflag:s20] =	ssyncset.done @p0 $0x0  }
.Ltmp1:
0x45: {  	[sflag:s20] =	ssyncadd.s32 @p0 $0xFFFFDF80;
	s20 =	simm.s32 @!p0 $0x1;
	(pc) =	sbr.rel @p1 .LBB2_1-.Ltmp1, $4  }
0x46: {  	[hbm:s9], [sflag:s13] =	dma.local @!p0 [spmem:s14], $0x2780  }
0x47: {  	_ =	swait.ge @!p0 [sflag:s20], $0x2780  }
0x48: {  	[sflag:s20] =	ssyncset.done @!p0 $0x0  }
0x49: {  	[sflag:s20] =	ssyncadd.s32 @!p0 $0xFFFFD880  }
0x4a: {  	_ =	sfence.sel $0x180000  }
0x4b: {  	[bflag:$0x0] =	sbarrier.arrive $0xFFFF  }
0x4c: {  	p0 =	sne.s32 s2, $0x0;
	_ =	strace $0x90000047  }
0x4d: {  	s0 =	sadd.s32 @!p0 $0x100000, s0;
	[bflag:$0x2] =	sbarrier.arrive $0xFFFF  }
0x4e: {  	[sflag:s0] =	ssyncadd.tile.s32 @!p0 $0x1;
	_ =	shalt  }
.Lfunc_end2:
_tile_overlayer_lowered:
.L_overlay_start_2:
0x4f: {  	(tag) =	ssettag $0x2  }
0x50: {  	s0 =	rddreg [dreg:$0x0];
	s2 =	stileid.u32  }
0x51: {  	s1 =	rddreg [dreg:$0x1];
	p0 =	sne.s32 s2, $0x0  }
0x52: {  	s3 =	rddreg [dreg:$0x2];
	[bflag:$0x3] =	sbarrier.arrive $0xFFFF;
	s2 =	simm.s32 @!p0 $0x1C01  }
0x53: {  	[timem:s3], [sflag:s2] =	dma.local @!p0 [hbm:s0], s1  }
0x54: {  	s0 =	simm.s32 @!p0 $0x1  }
0x55: {  	_ =	swait.ge @!p0 [sflag:s0], s1  }
0x56: {  	s1 =	ssub.s32 @!p0 $0x0, s1;
	[sflag:s0] =	ssyncset.done @!p0 $0x0  }
0x57: {  	[sflag:s0] =	ssyncadd.s32 @!p0 s1  }
0x58: {  	[bflag:$0x3] =	sbarrier.arrive $0xFFFF  }
0x59: {  	_ =	shalt  }

</sc_bundles>
